<compile_context>
chip_gen: v7x
topology: tpu7x:2x2x1
jax: 0.10.2.dev20260603
libtpu: 0.0.44.dev20260713+nightly
codegen_flags: <defaults>
</compile_context>

<pallas_src>
import functools

import jax
import jax.numpy as jnp
from jax import lax
from jax.experimental import pallas as pl
from jax.experimental.pallas import tpu as pltpu
from jax.experimental.pallas import tpu_sc as plsc



def _sc_gather(tables, idx_fm, N, D):
    info = plsc.get_sparse_core_info()
    NC, NS = info.num_cores, info.num_subcores
    NW = NC * NS
    W_PER_F = NW // 4
    rows_w = N // W_PER_F
    n_ch = max(1, rows_w // 1024)
    CH = rows_w // n_ch
    mesh = plsc.VectorSubcoreMesh(core_axis_name="c", subcore_axis_name="s")

    @functools.partial(
        pl.kernel,
        mesh=mesh,
        compiler_params=pltpu.CompilerParams(use_tc_tiling_on_sc=False),
        out_type=jax.ShapeDtypeStruct((4 * N, D), jnp.float32),
        scratch_types=[
            pltpu.VMEM((rows_w,), jnp.int32),
            pltpu.VMEM((CH, D), jnp.float32),
            pltpu.SemaphoreType.DMA,
        ],
    )
    def k(tstk, idx_hbm, out_hbm, idx_v, rows_v, gsem):
        wid = lax.axis_index("s") * NC + lax.axis_index("c")
        f = wid // W_PER_F
        base = (wid % W_PER_F) * rows_w
        for ff in range(4):
            @pl.when(f == ff)
            def _():
                pltpu.sync_copy(
                    idx_hbm.at[pl.ds(ff * N + base, rows_w)], idx_v
                )
                for c in range(n_ch):
                    pltpu.async_copy(
                        tstk.at[ff].at[idx_v.at[pl.ds(c * CH, CH)]],
                        rows_v,
                        gsem,
                    ).wait()
                    pltpu.sync_copy(
                        rows_v,
                        out_hbm.at[pl.ds(ff * N + base + c * CH, CH)],
                    )

    return k(jnp.stack(tables), idx_fm)



def _refold(x, BN, E):
    z = jnp.broadcast_to(x[:, None, :], (BN // 2, 2, 2 * E)).reshape(BN, 2 * E)
    even = (lax.broadcasted_iota(jnp.int32, (BN, E), 0) % 2) == 0
    return jnp.where(even, z[:, :E], z[:, E:])


def _mlp_body(x0_ref, x1_ref, x2_ref, x3_ref, w1_ref, b1_ref, w2_ref, b2_ref,
              *rest, BN, E):
    o_ref = rest[-1]
    x = jnp.concatenate(
        [_refold(xr[...], BN, E) for xr in (x0_ref, x1_ref, x2_ref, x3_ref)],
        axis=1,
    )
    h = jnp.dot(x, w1_ref[...], preferred_element_type=jnp.float32)
    h = jnp.maximum(h + b1_ref[...], 0.0)
    o_ref[...] = (
        jnp.dot(h, w2_ref[...], preferred_element_type=jnp.float32) + b2_ref[...]
    )


def _tc_mlp(emb2, Nc, E, W1, b1, W2, b2, N, row0_blocks, prev=None):
    H = W1.shape[1]
    O = W2.shape[1]
    BN = 2048
    nb = Nc // BN
    half_blocks = (Nc // 2) // (BN // 2)
    x_specs = [
        pl.BlockSpec(
            (BN // 2, 2 * E),
            functools.partial(lambda i, f: (f * half_blocks + i, 0), f=f),
        )
        for f in range(4)
    ]
    w_specs = [
        pl.BlockSpec((4 * E, H), lambda i: (0, 0)),
        pl.BlockSpec((1, H), lambda i: (0, 0)),
        pl.BlockSpec((H, O), lambda i: (0, 0)),
        pl.BlockSpec((1, O), lambda i: (0, 0)),
    ]
    args = [emb2, emb2, emb2, emb2, W1, b1.reshape(1, H), W2, b2.reshape(1, O)]
    in_specs = x_specs + w_specs
    aliases = {}
    if prev is not None:
        args.append(prev)
        in_specs = in_specs + [pl.BlockSpec(memory_space=pl.ANY)]
        aliases = {8: 0}
    return pl.pallas_call(
        functools.partial(_mlp_body, BN=BN, E=E),
        grid=(nb,),
        in_specs=in_specs,
        out_specs=pl.BlockSpec((BN, O), lambda i: (row0_blocks + i, 0)),
        out_shape=jax.ShapeDtypeStruct((N, O), jnp.float32),
        input_output_aliases=aliases,
    )(*args)


def kernel(input_tensor, genre_table, key_table, meter_table, unl_table, W1, b1, W2, b2):
    N = input_tensor.shape[0]
    V, E = genre_table.shape
    tables = (genre_table, key_table, meter_table, unl_table)
    NCHUNK = 2
    Nc = N // NCHUNK
    BN = 2048
    embs = []
    for c in range(NCHUNK):
        idx_c = input_tensor[c * Nc:(c + 1) * Nc].T.reshape(-1)
        embs.append(_sc_gather(tables, idx_c, Nc, E))
    out = None
    for c in range(NCHUNK):
        emb2 = embs[c].reshape(2 * Nc, 2 * E)
        out = _tc_mlp(emb2, Nc, E, W1, b1, W2, b2, N,
                      row0_blocks=c * (Nc // BN), prev=out)
    return out

# --- scband reference (transcript-rebuilt; emitter-appended) ---
"""Pipeline reference for scband-header-emb-model-53111565583065 (READ-ONLY COPY).

The authoritative reference and input builder live on the scoring server;
editing this copy changes nothing except your own understanding.
"""

import jax, jax.numpy as jnp
import numpy as np

N = 16384
V = 1000
EMB = 64
HID = 256
OUT = 256

def setup_inputs(seed: int = 0) -> dict:
    key = jax.random.key(seed)
    ks = jax.random.split(key, 10)
    input_tensor = jax.random.randint(ks[0], (N, 4), 0, 900, dtype=jnp.int32)
    genre_table = jax.random.normal(ks[1], (V, EMB), dtype=jnp.float32)
    key_table = jax.random.normal(ks[2], (V, EMB), dtype=jnp.float32)
    meter_table = jax.random.normal(ks[3], (V, EMB), dtype=jnp.float32)
    unl_table = jax.random.normal(ks[4], (V, EMB), dtype=jnp.float32)
    W1 = jax.random.normal(ks[5], (EMB * 4, HID * 2), dtype=jnp.float32) * 0.02
    b1 = jnp.zeros((HID * 2,), dtype=jnp.float32)
    W2 = jax.random.normal(ks[6], (HID * 2, OUT), dtype=jnp.float32) * 0.02
    b2 = jnp.zeros((OUT,), dtype=jnp.float32)
    return {"input_tensor": input_tensor, "genre_table": genre_table, "key_table": key_table, "meter_table": meter_table, "unl_table": unl_table, "W1": W1, "b1": b1, "W2": W2, "b2": b2}

def reference(input_tensor, genre_table, key_table, meter_table, unl_table, W1, b1, W2, b2):
    genre_emb = jnp.take(genre_table, input_tensor[:, 0], axis=0)
    key_emb = jnp.take(key_table, input_tensor[:, 1], axis=0)
    meter_emb = jnp.take(meter_table, input_tensor[:, 2], axis=0)
    unl_emb = jnp.take(unl_table, input_tensor[:, 3], axis=0)
    emb = jnp.concatenate([genre_emb, key_emb, meter_emb, unl_emb], axis=1)
    h = jax.nn.relu(emb @ W1 + b1)
    out = h @ W2 + b2
    return out

if __name__ == "__main__":
    import jax
    _d = setup_inputs()
    print(jax.jit(kernel)(*tuple(_d.values())))

</pallas_src>

<mosaic_0001>
#map = affine_map<(d0, d1) -> (0, 0, 0)>
#map1 = affine_map<(d0, d1) -> (0)>
#map2 = affine_map<(d0, d1) -> (0, 0)>
module attributes {stable_mosaic.version = 14 : i64} {
  func.func @k(%arg0: i32, %arg1: i32, %arg2: memref<4x1000x64xf32, #tpu.memory_space<hbm>>, %arg3: memref<32768xi32, #tpu.memory_space<hbm>>, %arg4: memref<32768x64xf32, #tpu.memory_space<hbm>>, %arg5: memref<1024xi32, #tpu.memory_space<vmem>>, %arg6: memref<1024x64xf32, #tpu.memory_space<vmem>>, %arg7: memref<!tpu.dma_semaphore, #tpu.memory_space<semaphore_mem>>) attributes {dimension_semantics = [#tpu.dimension_semantics<core_parallel>, #tpu.dimension_semantics<subcore_parallel>], iteration_bounds = array<i64: 2, 16>, scalar_prefetch = 0 : i64, scratch_operands = 3 : i64, tpu.core_type = #tpu.core_type<sc_vector_subcore>, window_params = [{transform_indices = #map}, {transform_indices = #map1}, {transform_indices = #map2}]} {
    %mul3A = arith.constant 2 : i32
    %mul3A_0 = arith.muli %arg1, %mul3A : i32
    %add3A = arith.addi %mul3A_0, %arg0 : i32
    %jit3A = arith.constant 8 : i32
    %div3A = arith.divsi %add3A, %jit3A : i32
    %sign3A = arith.constant 0 : i32
    %sign3A_1 = arith.cmpi sgt, %add3A, %sign3A : i32
    %sign3A_2 = arith.extui %sign3A_1 : i1 to i32
    %sign3A_3 = arith.constant 0 : i32
    %sign3A_4 = arith.cmpi slt, %add3A, %sign3A_3 : i32
    %sign3A_5 = arith.extui %sign3A_4 : i1 to i32
    %sign3A_6 = arith.subi %sign3A_2, %sign3A_5 : i32
    %sign3A_7 = arith.constant 0 : i32
    %sign3A_8 = arith.cmpi sgt, %jit3A, %sign3A_7 : i32
    %sign3A_9 = arith.extui %sign3A_8 : i1 to i32
    %sign3A_10 = arith.constant 0 : i32
    %sign3A_11 = arith.cmpi slt, %jit3A, %sign3A_10 : i32
    %sign3A_12 = arith.extui %sign3A_11 : i1 to i32
    %sign3A_13 = arith.subi %sign3A_9, %sign3A_12 : i32
    %ne3A = arith.cmpi ne, %sign3A_6, %sign3A_13 : i32
    %rem3A = arith.remsi %add3A, %jit3A : i32
    %ne3A_14 = arith.constant 0 : i32
    %ne3A_15 = arith.cmpi ne, %rem3A, %ne3A_14 : i32
    %and3A = arith.andi %ne3A, %ne3A_15 : i1
    %sub3A = arith.constant 1 : i32
    %sub3A_16 = arith.subi %div3A, %sub3A : i32
    %select_n3A = arith.select %and3A, %sub3A_16, %div3A : i32
    %jit3A_17 = arith.constant 8 : i32
    %eq3A = arith.constant 0 : i32
    %eq3A_18 = arith.cmpi eq, %jit3A_17, %eq3A : i32
    %jit3A_19 = arith.constant 1 : i32
    %select_n3A_20 = arith.select %eq3A_18, %jit3A_19, %jit3A_17 : i32
    %rem3A_21 = arith.remsi %add3A, %select_n3A_20 : i32
    %ne3A_22 = arith.constant 0 : i32
    %ne3A_23 = arith.cmpi ne, %rem3A_21, %ne3A_22 : i32
    %lt3A = arith.constant 0 : i32
    %lt3A_24 = arith.cmpi slt, %rem3A_21, %lt3A : i32
    %lt3A_25 = arith.constant 0 : i32
    %lt3A_26 = arith.cmpi slt, %select_n3A_20, %lt3A_25 : i32
    %ne3A_27 = arith.xori %lt3A_24, %lt3A_26 : i1
    %and3A_28 = arith.andi %ne3A_27, %ne3A_23 : i1
    %add3A_29 = arith.addi %rem3A_21, %select_n3A_20 : i32
    %select_n3A_30 = arith.select %and3A_28, %add3A_29, %rem3A_21 : i32
    %mul3A_31 = arith.constant 1024 : i32
    %mul3A_32 = arith.muli %select_n3A_30, %mul3A_31 : i32
    %eq3A_33 = arith.constant 0 : i32
    %eq3A_34 = arith.cmpi eq, %select_n3A, %eq3A_33 : i32
    %convert_element_type3A = arith.extui %eq3A_34 : i1 to i32
    %cond3A = arith.constant 0 : i32
    %cond3A_35 = arith.cmpi ne, %convert_element_type3A, %cond3A : i32
    scf.if %cond3A_35 {
      %add3A_51 = arith.constant 0 : i32
      %add3A_52 = arith.addi %add3A_51, %mul3A_32 : i32
      "tpu.region"() ({
        %run_scoped3A = tpu.sem_alloc : memref<!tpu.dma_semaphore, #tpu.memory_space<semaphore_mem>>
        %dma_start3A_75 = tpu.memref_slice %arg3[%add3A_52] : memref<32768xi32, #tpu.memory_space<hbm>> -> memref<1024xi32, #tpu.memory_space<hbm>>
        %dma_start3A_76 = tpu.memref_slice %arg3[%add3A_52] : memref<32768xi32, #tpu.memory_space<hbm>> -> memref<1024xi32, #tpu.memory_space<hbm>>
        tpu.enqueue_dma source(%dma_start3A_76 : memref<1024xi32, #tpu.memory_space<hbm>>) target(%arg5 : memref<1024xi32, #tpu.memory_space<vmem>>) target_semaphore(%run_scoped3A : memref<!tpu.dma_semaphore, #tpu.memory_space<semaphore_mem>>)
        %dma_wait3A_77 = tpu.memref_slice %arg3[%add3A_52] : memref<32768xi32, #tpu.memory_space<hbm>> -> memref<1024xi32, #tpu.memory_space<hbm>>
        %dma_wait3A_78 = tpu.memref_slice %arg3[%add3A_52] : memref<32768xi32, #tpu.memory_space<hbm>> -> memref<1024xi32, #tpu.memory_space<hbm>>
        tpu.wait_dma2 semaphore(%run_scoped3A : memref<!tpu.dma_semaphore, #tpu.memory_space<semaphore_mem>>) src(%dma_wait3A_78 : memref<1024xi32, #tpu.memory_space<hbm>>) dst(%arg5 : memref<1024xi32, #tpu.memory_space<vmem>>)
        tpu.yield
      }) : () -> ()
      %dma_start3A = arith.constant 0 : i32
      %dma_start3A_53 = arith.constant 0 : i32
      %dma_start3A_54 = tpu.memref_slice %arg5[%dma_start3A_53] : memref<1024xi32, #tpu.memory_space<vmem>> -> memref<1024xi32, #tpu.memory_space<vmem>>
      %dma_start3A_55 = arith.constant 0 : i32
      %dma_start3A_56 = arith.constant 0 : i32
      %dma_start3A_57 = tpu.memref_slice %arg2[%dma_start3A, %dma_start3A_55, %dma_start3A_56] : memref<4x1000x64xf32, #tpu.memory_space<hbm>> -> memref<1x1000x64xf32, #tpu.memory_space<hbm>>
      %dma_start3A_58 = tpu.memref_squeeze %dma_start3A_57 : memref<1x1000x64xf32, #tpu.memory_space<hbm>> -> memref<1000x64xf32, #tpu.memory_space<hbm>>
      %dma_start3A_59 = arith.constant 0 : i32
      %dma_start3A_60 = arith.constant 0 : i32
      %dma_start3A_61 = tpu.memref_slice %dma_start3A_58[%dma_start3A_59, %dma_start3A_60] : memref<1000x64xf32, #tpu.memory_space<hbm>> -> memref<1000x64xf32, #tpu.memory_space<hbm>>
      tpu.enqueue_indirect_dma source(%dma_start3A_61 : memref<1000x64xf32, #tpu.memory_space<hbm>>) target(%arg6 : memref<1024x64xf32, #tpu.memory_space<vmem>>) offsets(%dma_start3A_54 : memref<1024xi32, #tpu.memory_space<vmem>>) semaphore(%arg7 : memref<!tpu.dma_semaphore, #tpu.memory_space<semaphore_mem>>)
      %dma_wait3A = arith.constant 0 : i32
      %dma_wait3A_62 = arith.constant 0 : i32
      %dma_wait3A_63 = tpu.memref_slice %arg5[%dma_wait3A_62] : memref<1024xi32, #tpu.memory_space<vmem>> -> memref<1024xi32, #tpu.memory_space<vmem>>
      %dma_wait3A_64 = arith.constant 0 : i32
      %dma_wait3A_65 = arith.constant 0 : i32
      %dma_wait3A_66 = tpu.memref_slice %arg2[%dma_wait3A, %dma_wait3A_64, %dma_wait3A_65] : memref<4x1000x64xf32, #tpu.memory_space<hbm>> -> memref<1x1000x64xf32, #tpu.memory_space<hbm>>
      %dma_wait3A_67 = tpu.memref_squeeze %dma_wait3A_66 : memref<1x1000x64xf32, #tpu.memory_space<hbm>> -> memref<1000x64xf32, #tpu.memory_space<hbm>>
      %dma_wait3A_68 = arith.constant 0 : i32
      %dma_wait3A_69 = arith.constant 0 : i32
      %dma_wait3A_70 = tpu.memref_slice %dma_wait3A_67[%dma_wait3A_68, %dma_wait3A_69] : memref<1000x64xf32, #tpu.memory_space<hbm>> -> memref<1000x64xf32, #tpu.memory_space<hbm>>
      tpu.wait_indirect_dma semaphore(%arg7 : memref<!tpu.dma_semaphore, #tpu.memory_space<semaphore_mem>>) src(%dma_wait3A_70 : memref<1000x64xf32, #tpu.memory_space<hbm>>) dst(%arg6 : memref<1024x64xf32, #tpu.memory_space<vmem>>)
      %add3A_71 = arith.constant 0 : i32
      %add3A_72 = arith.addi %add3A_71, %mul3A_32 : i32
      %add3A_73 = arith.constant 0 : i32
      %add3A_74 = arith.addi %add3A_72, %add3A_73 : i32
      "tpu.region"() ({
        %run_scoped3A = tpu.sem_alloc : memref<!tpu.dma_semaphore, #tpu.memory_space<semaphore_mem>>
        %dma_start3A_75 = arith.constant 0 : i32
        %dma_start3A_76 = tpu.memref_slice %arg4[%add3A_74, %dma_start3A_75] : memref<32768x64xf32, #tpu.memory_space<hbm>> -> memref<1024x64xf32, #tpu.memory_space<hbm>>
        %dma_start3A_77 = arith.constant 0 : i32
        %dma_start3A_78 = tpu.memref_slice %arg4[%add3A_74, %dma_start3A_77] : memref<32768x64xf32, #tpu.memory_space<hbm>> -> memref<1024x64xf32, #tpu.memory_space<hbm>>
        tpu.enqueue_dma source(%arg6 : memref<1024x64xf32, #tpu.memory_space<vmem>>) target(%dma_start3A_78 : memref<1024x64xf32, #tpu.memory_space<hbm>>) target_semaphore(%run_scoped3A : memref<!tpu.dma_semaphore, #tpu.memory_space<semaphore_mem>>)
        %dma_wait3A_79 = arith.constant 0 : i32
        %dma_wait3A_80 = tpu.memref_slice %arg4[%add3A_74, %dma_wait3A_79] : memref<32768x64xf32, #tpu.memory_space<hbm>> -> memref<1024x64xf32, #tpu.memory_space<hbm>>
        %dma_wait3A_81 = arith.constant 0 : i32
        %dma_wait3A_82 = tpu.memref_slice %arg4[%add3A_74, %dma_wait3A_81] : memref<32768x64xf32, #tpu.memory_space<hbm>> -> memref<1024x64xf32, #tpu.memory_space<hbm>>
        tpu.wait_dma2 semaphore(%run_scoped3A : memref<!tpu.dma_semaphore, #tpu.memory_space<semaphore_mem>>) src(%arg6 : memref<1024x64xf32, #tpu.memory_space<vmem>>) dst(%dma_wait3A_82 : memref<1024x64xf32, #tpu.memory_space<hbm>>)
        tpu.yield
      }) : () -> ()
    } else {
    }
    %eq3A_36 = arith.constant 1 : i32
    %eq3A_37 = arith.cmpi eq, %select_n3A, %eq3A_36 : i32
    %convert_element_type3A_38 = arith.extui %eq3A_37 : i1 to i32
    %cond3A_39 = arith.constant 0 : i32
    %cond3A_40 = arith.cmpi ne, %convert_element_type3A_38, %cond3A_39 : i32
    scf.if %cond3A_40 {
      %add3A_51 = arith.constant 8192 : i32
      %add3A_52 = arith.addi %add3A_51, %mul3A_32 : i32
      "tpu.region"() ({
        %run_scoped3A = tpu.sem_alloc : memref<!tpu.dma_semaphore, #tpu.memory_space<semaphore_mem>>
        %dma_start3A_75 = tpu.memref_slice %arg3[%add3A_52] : memref<32768xi32, #tpu.memory_space<hbm>> -> memref<1024xi32, #tpu.memory_space<hbm>>
        %dma_start3A_76 = tpu.memref_slice %arg3[%add3A_52] : memref<32768xi32, #tpu.memory_space<hbm>> -> memref<1024xi32, #tpu.memory_space<hbm>>
        tpu.enqueue_dma source(%dma_start3A_76 : memref<1024xi32, #tpu.memory_space<hbm>>) target(%arg5 : memref<1024xi32, #tpu.memory_space<vmem>>) target_semaphore(%run_scoped3A : memref<!tpu.dma_semaphore, #tpu.memory_space<semaphore_mem>>)
        %dma_wait3A_77 = tpu.memref_slice %arg3[%add3A_52] : memref<32768xi32, #tpu.memory_space<hbm>> -> memref<1024xi32, #tpu.memory_space<hbm>>
        %dma_wait3A_78 = tpu.memref_slice %arg3[%add3A_52] : memref<32768xi32, #tpu.memory_space<hbm>> -> memref<1024xi32, #tpu.memory_space<hbm>>
        tpu.wait_dma2 semaphore(%run_scoped3A : memref<!tpu.dma_semaphore, #tpu.memory_space<semaphore_mem>>) src(%dma_wait3A_78 : memref<1024xi32, #tpu.memory_space<hbm>>) dst(%arg5 : memref<1024xi32, #tpu.memory_space<vmem>>)
        tpu.yield
      }) : () -> ()
      %dma_start3A = arith.constant 1 : i32
      %dma_start3A_53 = arith.constant 0 : i32
      %dma_start3A_54 = tpu.memref_slice %arg5[%dma_start3A_53] : memref<1024xi32, #tpu.memory_space<vmem>> -> memref<1024xi32, #tpu.memory_space<vmem>>
      %dma_start3A_55 = arith.constant 0 : i32
      %dma_start3A_56 = arith.constant 0 : i32
      %dma_start3A_57 = tpu.memref_slice %arg2[%dma_start3A, %dma_start3A_55, %dma_start3A_56] : memref<4x1000x64xf32, #tpu.memory_space<hbm>> -> memref<1x1000x64xf32, #tpu.memory_space<hbm>>
      %dma_start3A_58 = tpu.memref_squeeze %dma_start3A_57 : memref<1x1000x64xf32, #tpu.memory_space<hbm>> -> memref<1000x64xf32, #tpu.memory_space<hbm>>
      %dma_start3A_59 = arith.constant 0 : i32
      %dma_start3A_60 = arith.constant 0 : i32
      %dma_start3A_61 = tpu.memref_slice %dma_start3A_58[%dma_start3A_59, %dma_start3A_60] : memref<1000x64xf32, #tpu.memory_space<hbm>> -> memref<1000x64xf32, #tpu.memory_space<hbm>>
      tpu.enqueue_indirect_dma source(%dma_start3A_61 : memref<1000x64xf32, #tpu.memory_space<hbm>>) target(%arg6 : memref<1024x64xf32, #tpu.memory_space<vmem>>) offsets(%dma_start3A_54 : memref<1024xi32, #tpu.memory_space<vmem>>) semaphore(%arg7 : memref<!tpu.dma_semaphore, #tpu.memory_space<semaphore_mem>>)
      %dma_wait3A = arith.constant 1 : i32
      %dma_wait3A_62 = arith.constant 0 : i32
      %dma_wait3A_63 = tpu.memref_slice %arg5[%dma_wait3A_62] : memref<1024xi32, #tpu.memory_space<vmem>> -> memref<1024xi32, #tpu.memory_space<vmem>>
      %dma_wait3A_64 = arith.constant 0 : i32
      %dma_wait3A_65 = arith.constant 0 : i32
      %dma_wait3A_66 = tpu.memref_slice %arg2[%dma_wait3A, %dma_wait3A_64, %dma_wait3A_65] : memref<4x1000x64xf32, #tpu.memory_space<hbm>> -> memref<1x1000x64xf32, #tpu.memory_space<hbm>>
      %dma_wait3A_67 = tpu.memref_squeeze %dma_wait3A_66 : memref<1x1000x64xf32, #tpu.memory_space<hbm>> -> memref<1000x64xf32, #tpu.memory_space<hbm>>
      %dma_wait3A_68 = arith.constant 0 : i32
      %dma_wait3A_69 = arith.constant 0 : i32
      %dma_wait3A_70 = tpu.memref_slice %dma_wait3A_67[%dma_wait3A_68, %dma_wait3A_69] : memref<1000x64xf32, #tpu.memory_space<hbm>> -> memref<1000x64xf32, #tpu.memory_space<hbm>>
      tpu.wait_indirect_dma semaphore(%arg7 : memref<!tpu.dma_semaphore, #tpu.memory_space<semaphore_mem>>) src(%dma_wait3A_70 : memref<1000x64xf32, #tpu.memory_space<hbm>>) dst(%arg6 : memref<1024x64xf32, #tpu.memory_space<vmem>>)
      %add3A_71 = arith.constant 8192 : i32
      %add3A_72 = arith.addi %add3A_71, %mul3A_32 : i32
      %add3A_73 = arith.constant 0 : i32
      %add3A_74 = arith.addi %add3A_72, %add3A_73 : i32
      "tpu.region"() ({
        %run_scoped3A = tpu.sem_alloc : memref<!tpu.dma_semaphore, #tpu.memory_space<semaphore_mem>>
        %dma_start3A_75 = arith.constant 0 : i32
        %dma_start3A_76 = tpu.memref_slice %arg4[%add3A_74, %dma_start3A_75] : memref<32768x64xf32, #tpu.memory_space<hbm>> -> memref<1024x64xf32, #tpu.memory_space<hbm>>
        %dma_start3A_77 = arith.constant 0 : i32
        %dma_start3A_78 = tpu.memref_slice %arg4[%add3A_74, %dma_start3A_77] : memref<32768x64xf32, #tpu.memory_space<hbm>> -> memref<1024x64xf32, #tpu.memory_space<hbm>>
        tpu.enqueue_dma source(%arg6 : memref<1024x64xf32, #tpu.memory_space<vmem>>) target(%dma_start3A_78 : memref<1024x64xf32, #tpu.memory_space<hbm>>) target_semaphore(%run_scoped3A : memref<!tpu.dma_semaphore, #tpu.memory_space<semaphore_mem>>)
        %dma_wait3A_79 = arith.constant 0 : i32
        %dma_wait3A_80 = tpu.memref_slice %arg4[%add3A_74, %dma_wait3A_79] : memref<32768x64xf32, #tpu.memory_space<hbm>> -> memref<1024x64xf32, #tpu.memory_space<hbm>>
        %dma_wait3A_81 = arith.constant 0 : i32
        %dma_wait3A_82 = tpu.memref_slice %arg4[%add3A_74, %dma_wait3A_81] : memref<32768x64xf32, #tpu.memory_space<hbm>> -> memref<1024x64xf32, #tpu.memory_space<hbm>>
        tpu.wait_dma2 semaphore(%run_scoped3A : memref<!tpu.dma_semaphore, #tpu.memory_space<semaphore_mem>>) src(%arg6 : memref<1024x64xf32, #tpu.memory_space<vmem>>) dst(%dma_wait3A_82 : memref<1024x64xf32, #tpu.memory_space<hbm>>)
        tpu.yield
      }) : () -> ()
    } else {
    }
    %eq3A_41 = arith.constant 2 : i32
    %eq3A_42 = arith.cmpi eq, %select_n3A, %eq3A_41 : i32
    %convert_element_type3A_43 = arith.extui %eq3A_42 : i1 to i32
    %cond3A_44 = arith.constant 0 : i32
    %cond3A_45 = arith.cmpi ne, %convert_element_type3A_43, %cond3A_44 : i32
    scf.if %cond3A_45 {
      %add3A_51 = arith.constant 16384 : i32
      %add3A_52 = arith.addi %add3A_51, %mul3A_32 : i32
      "tpu.region"() ({
        %run_scoped3A = tpu.sem_alloc : memref<!tpu.dma_semaphore, #tpu.memory_space<semaphore_mem>>
        %dma_start3A_75 = tpu.memref_slice %arg3[%add3A_52] : memref<32768xi32, #tpu.memory_space<hbm>> -> memref<1024xi32, #tpu.memory_space<hbm>>
        %dma_start3A_76 = tpu.memref_slice %arg3[%add3A_52] : memref<32768xi32, #tpu.memory_space<hbm>> -> memref<1024xi32, #tpu.memory_space<hbm>>
        tpu.enqueue_dma source(%dma_start3A_76 : memref<1024xi32, #tpu.memory_space<hbm>>) target(%arg5 : memref<1024xi32, #tpu.memory_space<vmem>>) target_semaphore(%run_scoped3A : memref<!tpu.dma_semaphore, #tpu.memory_space<semaphore_mem>>)
        %dma_wait3A_77 = tpu.memref_slice %arg3[%add3A_52] : memref<32768xi32, #tpu.memory_space<hbm>> -> memref<1024xi32, #tpu.memory_space<hbm>>
        %dma_wait3A_78 = tpu.memref_slice %arg3[%add3A_52] : memref<32768xi32, #tpu.memory_space<hbm>> -> memref<1024xi32, #tpu.memory_space<hbm>>
        tpu.wait_dma2 semaphore(%run_scoped3A : memref<!tpu.dma_semaphore, #tpu.memory_space<semaphore_mem>>) src(%dma_wait3A_78 : memref<1024xi32, #tpu.memory_space<hbm>>) dst(%arg5 : memref<1024xi32, #tpu.memory_space<vmem>>)
        tpu.yield
      }) : () -> ()
      %dma_start3A = arith.constant 2 : i32
      %dma_start3A_53 = arith.constant 0 : i32
      %dma_start3A_54 = tpu.memref_slice %arg5[%dma_start3A_53] : memref<1024xi32, #tpu.memory_space<vmem>> -> memref<1024xi32, #tpu.memory_space<vmem>>
      %dma_start3A_55 = arith.constant 0 : i32
      %dma_start3A_56 = arith.constant 0 : i32
      %dma_start3A_57 = tpu.memref_slice %arg2[%dma_start3A, %dma_start3A_55, %dma_start3A_56] : memref<4x1000x64xf32, #tpu.memory_space<hbm>> -> memref<1x1000x64xf32, #tpu.memory_space<hbm>>
      %dma_start3A_58 = tpu.memref_squeeze %dma_start3A_57 : memref<1x1000x64xf32, #tpu.memory_space<hbm>> -> memref<1000x64xf32, #tpu.memory_space<hbm>>
      %dma_start3A_59 = arith.constant 0 : i32
      %dma_start3A_60 = arith.constant 0 : i32
      %dma_start3A_61 = tpu.memref_slice %dma_start3A_58[%dma_start3A_59, %dma_start3A_60] : memref<1000x64xf32, #tpu.memory_space<hbm>> -> memref<1000x64xf32, #tpu.memory_space<hbm>>
      tpu.enqueue_indirect_dma source(%dma_start3A_61 : memref<1000x64xf32, #tpu.memory_space<hbm>>) target(%arg6 : memref<1024x64xf32, #tpu.memory_space<vmem>>) offsets(%dma_start3A_54 : memref<1024xi32, #tpu.memory_space<vmem>>) semaphore(%arg7 : memref<!tpu.dma_semaphore, #tpu.memory_space<semaphore_mem>>)
      %dma_wait3A = arith.constant 2 : i32
      %dma_wait3A_62 = arith.constant 0 : i32
      %dma_wait3A_63 = tpu.memref_slice %arg5[%dma_wait3A_62] : memref<1024xi32, #tpu.memory_space<vmem>> -> memref<1024xi32, #tpu.memory_space<vmem>>
      %dma_wait3A_64 = arith.constant 0 : i32
      %dma_wait3A_65 = arith.constant 0 : i32
      %dma_wait3A_66 = tpu.memref_slice %arg2[%dma_wait3A, %dma_wait3A_64, %dma_wait3A_65] : memref<4x1000x64xf32, #tpu.memory_space<hbm>> -> memref<1x1000x64xf32, #tpu.memory_space<hbm>>
      %dma_wait3A_67 = tpu.memref_squeeze %dma_wait3A_66 : memref<1x1000x64xf32, #tpu.memory_space<hbm>> -> memref<1000x64xf32, #tpu.memory_space<hbm>>
      %dma_wait3A_68 = arith.constant 0 : i32
      %dma_wait3A_69 = arith.constant 0 : i32
      %dma_wait3A_70 = tpu.memref_slice %dma_wait3A_67[%dma_wait3A_68, %dma_wait3A_69] : memref<1000x64xf32, #tpu.memory_space<hbm>> -> memref<1000x64xf32, #tpu.memory_space<hbm>>
      tpu.wait_indirect_dma semaphore(%arg7 : memref<!tpu.dma_semaphore, #tpu.memory_space<semaphore_mem>>) src(%dma_wait3A_70 : memref<1000x64xf32, #tpu.memory_space<hbm>>) dst(%arg6 : memref<1024x64xf32, #tpu.memory_space<vmem>>)
      %add3A_71 = arith.constant 16384 : i32
      %add3A_72 = arith.addi %add3A_71, %mul3A_32 : i32
      %add3A_73 = arith.constant 0 : i32
      %add3A_74 = arith.addi %add3A_72, %add3A_73 : i32
      "tpu.region"() ({
        %run_scoped3A = tpu.sem_alloc : memref<!tpu.dma_semaphore, #tpu.memory_space<semaphore_mem>>
        %dma_start3A_75 = arith.constant 0 : i32
        %dma_start3A_76 = tpu.memref_slice %arg4[%add3A_74, %dma_start3A_75] : memref<32768x64xf32, #tpu.memory_space<hbm>> -> memref<1024x64xf32, #tpu.memory_space<hbm>>
        %dma_start3A_77 = arith.constant 0 : i32
        %dma_start3A_78 = tpu.memref_slice %arg4[%add3A_74, %dma_start3A_77] : memref<32768x64xf32, #tpu.memory_space<hbm>> -> memref<1024x64xf32, #tpu.memory_space<hbm>>
        tpu.enqueue_dma source(%arg6 : memref<1024x64xf32, #tpu.memory_space<vmem>>) target(%dma_start3A_78 : memref<1024x64xf32, #tpu.memory_space<hbm>>) target_semaphore(%run_scoped3A : memref<!tpu.dma_semaphore, #tpu.memory_space<semaphore_mem>>)
        %dma_wait3A_79 = arith.constant 0 : i32
        %dma_wait3A_80 = tpu.memref_slice %arg4[%add3A_74, %dma_wait3A_79] : memref<32768x64xf32, #tpu.memory_space<hbm>> -> memref<1024x64xf32, #tpu.memory_space<hbm>>
        %dma_wait3A_81 = arith.constant 0 : i32
        %dma_wait3A_82 = tpu.memref_slice %arg4[%add3A_74, %dma_wait3A_81] : memref<32768x64xf32, #tpu.memory_space<hbm>> -> memref<1024x64xf32, #tpu.memory_space<hbm>>
        tpu.wait_dma2 semaphore(%run_scoped3A : memref<!tpu.dma_semaphore, #tpu.memory_space<semaphore_mem>>) src(%arg6 : memref<1024x64xf32, #tpu.memory_space<vmem>>) dst(%dma_wait3A_82 : memref<1024x64xf32, #tpu.memory_space<hbm>>)
        tpu.yield
      }) : () -> ()
    } else {
    }
    %eq3A_46 = arith.constant 3 : i32
    %eq3A_47 = arith.cmpi eq, %select_n3A, %eq3A_46 : i32
    %convert_element_type3A_48 = arith.extui %eq3A_47 : i1 to i32
    %cond3A_49 = arith.constant 0 : i32
    %cond3A_50 = arith.cmpi ne, %convert_element_type3A_48, %cond3A_49 : i32
    scf.if %cond3A_50 {
      %add3A_51 = arith.constant 24576 : i32
      %add3A_52 = arith.addi %add3A_51, %mul3A_32 : i32
      "tpu.region"() ({
        %run_scoped3A = tpu.sem_alloc : memref<!tpu.dma_semaphore, #tpu.memory_space<semaphore_mem>>
        %dma_start3A_75 = tpu.memref_slice %arg3[%add3A_52] : memref<32768xi32, #tpu.memory_space<hbm>> -> memref<1024xi32, #tpu.memory_space<hbm>>
        %dma_start3A_76 = tpu.memref_slice %arg3[%add3A_52] : memref<32768xi32, #tpu.memory_space<hbm>> -> memref<1024xi32, #tpu.memory_space<hbm>>
        tpu.enqueue_dma source(%dma_start3A_76 : memref<1024xi32, #tpu.memory_space<hbm>>) target(%arg5 : memref<1024xi32, #tpu.memory_space<vmem>>) target_semaphore(%run_scoped3A : memref<!tpu.dma_semaphore, #tpu.memory_space<semaphore_mem>>)
        %dma_wait3A_77 = tpu.memref_slice %arg3[%add3A_52] : memref<32768xi32, #tpu.memory_space<hbm>> -> memref<1024xi32, #tpu.memory_space<hbm>>
        %dma_wait3A_78 = tpu.memref_slice %arg3[%add3A_52] : memref<32768xi32, #tpu.memory_space<hbm>> -> memref<1024xi32, #tpu.memory_space<hbm>>
        tpu.wait_dma2 semaphore(%run_scoped3A : memref<!tpu.dma_semaphore, #tpu.memory_space<semaphore_mem>>) src(%dma_wait3A_78 : memref<1024xi32, #tpu.memory_space<hbm>>) dst(%arg5 : memref<1024xi32, #tpu.memory_space<vmem>>)
        tpu.yield
      }) : () -> ()
      %dma_start3A = arith.constant 3 : i32
      %dma_start3A_53 = arith.constant 0 : i32
      %dma_start3A_54 = tpu.memref_slice %arg5[%dma_start3A_53] : memref<1024xi32, #tpu.memory_space<vmem>> -> memref<1024xi32, #tpu.memory_space<vmem>>
      %dma_start3A_55 = arith.constant 0 : i32
      %dma_start3A_56 = arith.constant 0 : i32
      %dma_start3A_57 = tpu.memref_slice %arg2[%dma_start3A, %dma_start3A_55, %dma_start3A_56] : memref<4x1000x64xf32, #tpu.memory_space<hbm>> -> memref<1x1000x64xf32, #tpu.memory_space<hbm>>
      %dma_start3A_58 = tpu.memref_squeeze %dma_start3A_57 : memref<1x1000x64xf32, #tpu.memory_space<hbm>> -> memref<1000x64xf32, #tpu.memory_space<hbm>>
      %dma_start3A_59 = arith.constant 0 : i32
      %dma_start3A_60 = arith.constant 0 : i32
      %dma_start3A_61 = tpu.memref_slice %dma_start3A_58[%dma_start3A_59, %dma_start3A_60] : memref<1000x64xf32, #tpu.memory_space<hbm>> -> memref<1000x64xf32, #tpu.memory_space<hbm>>
      tpu.enqueue_indirect_dma source(%dma_start3A_61 : memref<1000x64xf32, #tpu.memory_space<hbm>>) target(%arg6 : memref<1024x64xf32, #tpu.memory_space<vmem>>) offsets(%dma_start3A_54 : memref<1024xi32, #tpu.memory_space<vmem>>) semaphore(%arg7 : memref<!tpu.dma_semaphore, #tpu.memory_space<semaphore_mem>>)
      %dma_wait3A = arith.constant 3 : i32
      %dma_wait3A_62 = arith.constant 0 : i32
      %dma_wait3A_63 = tpu.memref_slice %arg5[%dma_wait3A_62] : memref<1024xi32, #tpu.memory_space<vmem>> -> memref<1024xi32, #tpu.memory_space<vmem>>
      %dma_wait3A_64 = arith.constant 0 : i32
      %dma_wait3A_65 = arith.constant 0 : i32
      %dma_wait3A_66 = tpu.memref_slice %arg2[%dma_wait3A, %dma_wait3A_64, %dma_wait3A_65] : memref<4x1000x64xf32, #tpu.memory_space<hbm>> -> memref<1x1000x64xf32, #tpu.memory_space<hbm>>
      %dma_wait3A_67 = tpu.memref_squeeze %dma_wait3A_66 : memref<1x1000x64xf32, #tpu.memory_space<hbm>> -> memref<1000x64xf32, #tpu.memory_space<hbm>>
      %dma_wait3A_68 = arith.constant 0 : i32
      %dma_wait3A_69 = arith.constant 0 : i32
      %dma_wait3A_70 = tpu.memref_slice %dma_wait3A_67[%dma_wait3A_68, %dma_wait3A_69] : memref<1000x64xf32, #tpu.memory_space<hbm>> -> memref<1000x64xf32, #tpu.memory_space<hbm>>
      tpu.wait_indirect_dma semaphore(%arg7 : memref<!tpu.dma_semaphore, #tpu.memory_space<semaphore_mem>>) src(%dma_wait3A_70 : memref<1000x64xf32, #tpu.memory_space<hbm>>) dst(%arg6 : memref<1024x64xf32, #tpu.memory_space<vmem>>)
      %add3A_71 = arith.constant 24576 : i32
      %add3A_72 = arith.addi %add3A_71, %mul3A_32 : i32
      %add3A_73 = arith.constant 0 : i32
      %add3A_74 = arith.addi %add3A_72, %add3A_73 : i32
      "tpu.region"() ({
        %run_scoped3A = tpu.sem_alloc : memref<!tpu.dma_semaphore, #tpu.memory_space<semaphore_mem>>
        %dma_start3A_75 = arith.constant 0 : i32
        %dma_start3A_76 = tpu.memref_slice %arg4[%add3A_74, %dma_start3A_75] : memref<32768x64xf32, #tpu.memory_space<hbm>> -> memref<1024x64xf32, #tpu.memory_space<hbm>>
        %dma_start3A_77 = arith.constant 0 : i32
        %dma_start3A_78 = tpu.memref_slice %arg4[%add3A_74, %dma_start3A_77] : memref<32768x64xf32, #tpu.memory_space<hbm>> -> memref<1024x64xf32, #tpu.memory_space<hbm>>
        tpu.enqueue_dma source(%arg6 : memref<1024x64xf32, #tpu.memory_space<vmem>>) target(%dma_start3A_78 : memref<1024x64xf32, #tpu.memory_space<hbm>>) target_semaphore(%run_scoped3A : memref<!tpu.dma_semaphore, #tpu.memory_space<semaphore_mem>>)
        %dma_wait3A_79 = arith.constant 0 : i32
        %dma_wait3A_80 = tpu.memref_slice %arg4[%add3A_74, %dma_wait3A_79] : memref<32768x64xf32, #tpu.memory_space<hbm>> -> memref<1024x64xf32, #tpu.memory_space<hbm>>
        %dma_wait3A_81 = arith.constant 0 : i32
        %dma_wait3A_82 = tpu.memref_slice %arg4[%add3A_74, %dma_wait3A_81] : memref<32768x64xf32, #tpu.memory_space<hbm>> -> memref<1024x64xf32, #tpu.memory_space<hbm>>
        tpu.wait_dma2 semaphore(%run_scoped3A : memref<!tpu.dma_semaphore, #tpu.memory_space<semaphore_mem>>) src(%arg6 : memref<1024x64xf32, #tpu.memory_space<vmem>>) dst(%dma_wait3A_82 : memref<1024x64xf32, #tpu.memory_space<hbm>>)
        tpu.yield
      }) : () -> ()
    } else {
    }
    return
  }
}

#map = affine_map<(d0, d1) -> (0, 0, 0)>
#map1 = affine_map<(d0, d1) -> (0)>
#map2 = affine_map<(d0, d1) -> (0, 0)>
module attributes {stable_mosaic.version = 14 : i64} {
  func.func @k(%arg0: i32, %arg1: i32, %arg2: memref<4x1000x64xf32, #tpu.memory_space<hbm>>, %arg3: memref<32768xi32, #tpu.memory_space<hbm>>, %arg4: memref<32768x64xf32, #tpu.memory_space<hbm>>, %arg5: memref<1024xi32, #tpu.memory_space<vmem>>, %arg6: memref<1024x64xf32, #tpu.memory_space<vmem>>, %arg7: memref<!tpu.dma_semaphore, #tpu.memory_space<semaphore_mem>>) attributes {dimension_semantics = [#tpu.dimension_semantics<core_parallel>, #tpu.dimension_semantics<subcore_parallel>], iteration_bounds = array<i64: 2, 16>, scalar_prefetch = 0 : i64, scratch_operands = 3 : i64, tpu.core_type = #tpu.core_type<sc_vector_subcore>, window_params = [{transform_indices = #map}, {transform_indices = #map1}, {transform_indices = #map2}]} {
    %mul3A = arith.constant 2 : i32
    %mul3A_0 = arith.muli %arg1, %mul3A : i32
    %add3A = arith.addi %mul3A_0, %arg0 : i32
    %jit3A = arith.constant 8 : i32
    %div3A = arith.divsi %add3A, %jit3A : i32
    %sign3A = arith.constant 0 : i32
    %sign3A_1 = arith.cmpi sgt, %add3A, %sign3A : i32
    %sign3A_2 = arith.extui %sign3A_1 : i1 to i32
    %sign3A_3 = arith.constant 0 : i32
    %sign3A_4 = arith.cmpi slt, %add3A, %sign3A_3 : i32
    %sign3A_5 = arith.extui %sign3A_4 : i1 to i32
    %sign3A_6 = arith.subi %sign3A_2, %sign3A_5 : i32
    %sign3A_7 = arith.constant 0 : i32
    %sign3A_8 = arith.cmpi sgt, %jit3A, %sign3A_7 : i32
    %sign3A_9 = arith.extui %sign3A_8 : i1 to i32
    %sign3A_10 = arith.constant 0 : i32
    %sign3A_11 = arith.cmpi slt, %jit3A, %sign3A_10 : i32
    %sign3A_12 = arith.extui %sign3A_11 : i1 to i32
    %sign3A_13 = arith.subi %sign3A_9, %sign3A_12 : i32
    %ne3A = arith.cmpi ne, %sign3A_6, %sign3A_13 : i32
    %rem3A = arith.remsi %add3A, %jit3A : i32
    %ne3A_14 = arith.constant 0 : i32
    %ne3A_15 = arith.cmpi ne, %rem3A, %ne3A_14 : i32
    %and3A = arith.andi %ne3A, %ne3A_15 : i1
    %sub3A = arith.constant 1 : i32
    %sub3A_16 = arith.subi %div3A, %sub3A : i32
    %select_n3A = arith.select %and3A, %sub3A_16, %div3A : i32
    %jit3A_17 = arith.constant 8 : i32
    %eq3A = arith.constant 0 : i32
    %eq3A_18 = arith.cmpi eq, %jit3A_17, %eq3A : i32
    %jit3A_19 = arith.constant 1 : i32
    %select_n3A_20 = arith.select %eq3A_18, %jit3A_19, %jit3A_17 : i32
    %rem3A_21 = arith.remsi %add3A, %select_n3A_20 : i32
    %ne3A_22 = arith.constant 0 : i32
    %ne3A_23 = arith.cmpi ne, %rem3A_21, %ne3A_22 : i32
    %lt3A = arith.constant 0 : i32
    %lt3A_24 = arith.cmpi slt, %rem3A_21, %lt3A : i32
    %lt3A_25 = arith.constant 0 : i32
    %lt3A_26 = arith.cmpi slt, %select_n3A_20, %lt3A_25 : i32
    %ne3A_27 = arith.xori %lt3A_24, %lt3A_26 : i1
    %and3A_28 = arith.andi %ne3A_27, %ne3A_23 : i1
    %add3A_29 = arith.addi %rem3A_21, %select_n3A_20 : i32
    %select_n3A_30 = arith.select %and3A_28, %add3A_29, %rem3A_21 : i32
    %mul3A_31 = arith.constant 1024 : i32
    %mul3A_32 = arith.muli %select_n3A_30, %mul3A_31 : i32
    %eq3A_33 = arith.constant 0 : i32
    %eq3A_34 = arith.cmpi eq, %select_n3A, %eq3A_33 : i32
    %convert_element_type3A = arith.extui %eq3A_34 : i1 to i32
    %cond3A = arith.constant 0 : i32
    %cond3A_35 = arith.cmpi ne, %convert_element_type3A, %cond3A : i32
    scf.if %cond3A_35 {
      %add3A_51 = arith.constant 0 : i32
      %add3A_52 = arith.addi %add3A_51, %mul3A_32 : i32
      "tpu.region"() ({
        %run_scoped3A = tpu.sem_alloc : memref<!tpu.dma_semaphore, #tpu.memory_space<semaphore_mem>>
        %dma_start3A_75 = tpu.memref_slice %arg3[%add3A_52] : memref<32768xi32, #tpu.memory_space<hbm>> -> memref<1024xi32, #tpu.memory_space<hbm>>
        %dma_start3A_76 = tpu.memref_slice %arg3[%add3A_52] : memref<32768xi32, #tpu.memory_space<hbm>> -> memref<1024xi32, #tpu.memory_space<hbm>>
        tpu.enqueue_dma source(%dma_start3A_76 : memref<1024xi32, #tpu.memory_space<hbm>>) target(%arg5 : memref<1024xi32, #tpu.memory_space<vmem>>) target_semaphore(%run_scoped3A : memref<!tpu.dma_semaphore, #tpu.memory_space<semaphore_mem>>)
        %dma_wait3A_77 = tpu.memref_slice %arg3[%add3A_52] : memref<32768xi32, #tpu.memory_space<hbm>> -> memref<1024xi32, #tpu.memory_space<hbm>>
        %dma_wait3A_78 = tpu.memref_slice %arg3[%add3A_52] : memref<32768xi32, #tpu.memory_space<hbm>> -> memref<1024xi32, #tpu.memory_space<hbm>>
        tpu.wait_dma2 semaphore(%run_scoped3A : memref<!tpu.dma_semaphore, #tpu.memory_space<semaphore_mem>>) src(%dma_wait3A_78 : memref<1024xi32, #tpu.memory_space<hbm>>) dst(%arg5 : memref<1024xi32, #tpu.memory_space<vmem>>)
        tpu.yield
      }) : () -> ()
      %dma_start3A = arith.constant 0 : i32
      %dma_start3A_53 = arith.constant 0 : i32
      %dma_start3A_54 = tpu.memref_slice %arg5[%dma_start3A_53] : memref<1024xi32, #tpu.memory_space<vmem>> -> memref<1024xi32, #tpu.memory_space<vmem>>
      %dma_start3A_55 = arith.constant 0 : i32
      %dma_start3A_56 = arith.constant 0 : i32
      %dma_start3A_57 = tpu.memref_slice %arg2[%dma_start3A, %dma_start3A_55, %dma_start3A_56] : memref<4x1000x64xf32, #tpu.memory_space<hbm>> -> memref<1x1000x64xf32, #tpu.memory_space<hbm>>
      %dma_start3A_58 = tpu.memref_squeeze %dma_start3A_57 : memref<1x1000x64xf32, #tpu.memory_space<hbm>> -> memref<1000x64xf32, #tpu.memory_space<hbm>>
      %dma_start3A_59 = arith.constant 0 : i32
      %dma_start3A_60 = arith.constant 0 : i32
      %dma_start3A_61 = tpu.memref_slice %dma_start3A_58[%dma_start3A_59, %dma_start3A_60] : memref<1000x64xf32, #tpu.memory_space<hbm>> -> memref<1000x64xf32, #tpu.memory_space<hbm>>
      tpu.enqueue_indirect_dma source(%dma_start3A_61 : memref<1000x64xf32, #tpu.memory_space<hbm>>) target(%arg6 : memref<1024x64xf32, #tpu.memory_space<vmem>>) offsets(%dma_start3A_54 : memref<1024xi32, #tpu.memory_space<vmem>>) semaphore(%arg7 : memref<!tpu.dma_semaphore, #tpu.memory_space<semaphore_mem>>)
      %dma_wait3A = arith.constant 0 : i32
      %dma_wait3A_62 = arith.constant 0 : i32
      %dma_wait3A_63 = tpu.memref_slice %arg5[%dma_wait3A_62] : memref<1024xi32, #tpu.memory_space<vmem>> -> memref<1024xi32, #tpu.memory_space<vmem>>
      %dma_wait3A_64 = arith.constant 0 : i32
      %dma_wait3A_65 = arith.constant 0 : i32
      %dma_wait3A_66 = tpu.memref_slice %arg2[%dma_wait3A, %dma_wait3A_64, %dma_wait3A_65] : memref<4x1000x64xf32, #tpu.memory_space<hbm>> -> memref<1x1000x64xf32, #tpu.memory_space<hbm>>
      %dma_wait3A_67 = tpu.memref_squeeze %dma_wait3A_66 : memref<1x1000x64xf32, #tpu.memory_space<hbm>> -> memref<1000x64xf32, #tpu.memory_space<hbm>>
      %dma_wait3A_68 = arith.constant 0 : i32
      %dma_wait3A_69 = arith.constant 0 : i32
      %dma_wait3A_70 = tpu.memref_slice %dma_wait3A_67[%dma_wait3A_68, %dma_wait3A_69] : memref<1000x64xf32, #tpu.memory_space<hbm>> -> memref<1000x64xf32, #tpu.memory_space<hbm>>
      tpu.wait_indirect_dma semaphore(%arg7 : memref<!tpu.dma_semaphore, #tpu.memory_space<semaphore_mem>>) src(%dma_wait3A_70 : memref<1000x64xf32, #tpu.memory_space<hbm>>) dst(%arg6 : memref<1024x64xf32, #tpu.memory_space<vmem>>)
      %add3A_71 = arith.constant 0 : i32
      %add3A_72 = arith.addi %add3A_71, %mul3A_32 : i32
      %add3A_73 = arith.constant 0 : i32
      %add3A_74 = arith.addi %add3A_72, %add3A_73 : i32
      "tpu.region"() ({
        %run_scoped3A = tpu.sem_alloc : memref<!tpu.dma_semaphore, #tpu.memory_space<semaphore_mem>>
        %dma_start3A_75 = arith.constant 0 : i32
        %dma_start3A_76 = tpu.memref_slice %arg4[%add3A_74, %dma_start3A_75] : memref<32768x64xf32, #tpu.memory_space<hbm>> -> memref<1024x64xf32, #tpu.memory_space<hbm>>
        %dma_start3A_77 = arith.constant 0 : i32
        %dma_start3A_78 = tpu.memref_slice %arg4[%add3A_74, %dma_start3A_77] : memref<32768x64xf32, #tpu.memory_space<hbm>> -> memref<1024x64xf32, #tpu.memory_space<hbm>>
        tpu.enqueue_dma source(%arg6 : memref<1024x64xf32, #tpu.memory_space<vmem>>) target(%dma_start3A_78 : memref<1024x64xf32, #tpu.memory_space<hbm>>) target_semaphore(%run_scoped3A : memref<!tpu.dma_semaphore, #tpu.memory_space<semaphore_mem>>)
        %dma_wait3A_79 = arith.constant 0 : i32
        %dma_wait3A_80 = tpu.memref_slice %arg4[%add3A_74, %dma_wait3A_79] : memref<32768x64xf32, #tpu.memory_space<hbm>> -> memref<1024x64xf32, #tpu.memory_space<hbm>>
        %dma_wait3A_81 = arith.constant 0 : i32
        %dma_wait3A_82 = tpu.memref_slice %arg4[%add3A_74, %dma_wait3A_81] : memref<32768x64xf32, #tpu.memory_space<hbm>> -> memref<1024x64xf32, #tpu.memory_space<hbm>>
        tpu.wait_dma2 semaphore(%run_scoped3A : memref<!tpu.dma_semaphore, #tpu.memory_space<semaphore_mem>>) src(%arg6 : memref<1024x64xf32, #tpu.memory_space<vmem>>) dst(%dma_wait3A_82 : memref<1024x64xf32, #tpu.memory_space<hbm>>)
        tpu.yield
      }) : () -> ()
    } else {
    }
    %eq3A_36 = arith.constant 1 : i32
    %eq3A_37 = arith.cmpi eq, %select_n3A, %eq3A_36 : i32
    %convert_element_type3A_38 = arith.extui %eq3A_37 : i1 to i32
    %cond3A_39 = arith.constant 0 : i32
    %cond3A_40 = arith.cmpi ne, %convert_element_type3A_38, %cond3A_39 : i32
    scf.if %cond3A_40 {
      %add3A_51 = arith.constant 8192 : i32
      %add3A_52 = arith.addi %add3A_51, %mul3A_32 : i32
      "tpu.region"() ({
        %run_scoped3A = tpu.sem_alloc : memref<!tpu.dma_semaphore, #tpu.memory_space<semaphore_mem>>
        %dma_start3A_75 = tpu.memref_slice %arg3[%add3A_52] : memref<32768xi32, #tpu.memory_space<hbm>> -> memref<1024xi32, #tpu.memory_space<hbm>>
        %dma_start3A_76 = tpu.memref_slice %arg3[%add3A_52] : memref<32768xi32, #tpu.memory_space<hbm>> -> memref<1024xi32, #tpu.memory_space<hbm>>
        tpu.enqueue_dma source(%dma_start3A_76 : memref<1024xi32, #tpu.memory_space<hbm>>) target(%arg5 : memref<1024xi32, #tpu.memory_space<vmem>>) target_semaphore(%run_scoped3A : memref<!tpu.dma_semaphore, #tpu.memory_space<semaphore_mem>>)
        %dma_wait3A_77 = tpu.memref_slice %arg3[%add3A_52] : memref<32768xi32, #tpu.memory_space<hbm>> -> memref<1024xi32, #tpu.memory_space<hbm>>
        %dma_wait3A_78 = tpu.memref_slice %arg3[%add3A_52] : memref<32768xi32, #tpu.memory_space<hbm>> -> memref<1024xi32, #tpu.memory_space<hbm>>
        tpu.wait_dma2 semaphore(%run_scoped3A : memref<!tpu.dma_semaphore, #tpu.memory_space<semaphore_mem>>) src(%dma_wait3A_78 : memref<1024xi32, #tpu.memory_space<hbm>>) dst(%arg5 : memref<1024xi32, #tpu.memory_space<vmem>>)
        tpu.yield
      }) : () -> ()
      %dma_start3A = arith.constant 1 : i32
      %dma_start3A_53 = arith.constant 0 : i32
      %dma_start3A_54 = tpu.memref_slice %arg5[%dma_start3A_53] : memref<1024xi32, #tpu.memory_space<vmem>> -> memref<1024xi32, #tpu.memory_space<vmem>>
      %dma_start3A_55 = arith.constant 0 : i32
      %dma_start3A_56 = arith.constant 0 : i32
      %dma_start3A_57 = tpu.memref_slice %arg2[%dma_start3A, %dma_start3A_55, %dma_start3A_56] : memref<4x1000x64xf32, #tpu.memory_space<hbm>> -> memref<1x1000x64xf32, #tpu.memory_space<hbm>>
      %dma_start3A_58 = tpu.memref_squeeze %dma_start3A_57 : memref<1x1000x64xf32, #tpu.memory_space<hbm>> -> memref<1000x64xf32, #tpu.memory_space<hbm>>
      %dma_start3A_59 = arith.constant 0 : i32
      %dma_start3A_60 = arith.constant 0 : i32
      %dma_start3A_61 = tpu.memref_slice %dma_start3A_58[%dma_start3A_59, %dma_start3A_60] : memref<1000x64xf32, #tpu.memory_space<hbm>> -> memref<1000x64xf32, #tpu.memory_space<hbm>>
      tpu.enqueue_indirect_dma source(%dma_start3A_61 : memref<1000x64xf32, #tpu.memory_space<hbm>>) target(%arg6 : memref<1024x64xf32, #tpu.memory_space<vmem>>) offsets(%dma_start3A_54 : memref<1024xi32, #tpu.memory_space<vmem>>) semaphore(%arg7 : memref<!tpu.dma_semaphore, #tpu.memory_space<semaphore_mem>>)
      %dma_wait3A = arith.constant 1 : i32
      %dma_wait3A_62 = arith.constant 0 : i32
      %dma_wait3A_63 = tpu.memref_slice %arg5[%dma_wait3A_62] : memref<1024xi32, #tpu.memory_space<vmem>> -> memref<1024xi32, #tpu.memory_space<vmem>>
      %dma_wait3A_64 = arith.constant 0 : i32
      %dma_wait3A_65 = arith.constant 0 : i32
      %dma_wait3A_66 = tpu.memref_slice %arg2[%dma_wait3A, %dma_wait3A_64, %dma_wait3A_65] : memref<4x1000x64xf32, #tpu.memory_space<hbm>> -> memref<1x1000x64xf32, #tpu.memory_space<hbm>>
      %dma_wait3A_67 = tpu.memref_squeeze %dma_wait3A_66 : memref<1x1000x64xf32, #tpu.memory_space<hbm>> -> memref<1000x64xf32, #tpu.memory_space<hbm>>
      %dma_wait3A_68 = arith.constant 0 : i32
      %dma_wait3A_69 = arith.constant 0 : i32
      %dma_wait3A_70 = tpu.memref_slice %dma_wait3A_67[%dma_wait3A_68, %dma_wait3A_69] : memref<1000x64xf32, #tpu.memory_space<hbm>> -> memref<1000x64xf32, #tpu.memory_space<hbm>>
      tpu.wait_indirect_dma semaphore(%arg7 : memref<!tpu.dma_semaphore, #tpu.memory_space<semaphore_mem>>) src(%dma_wait3A_70 : memref<1000x64xf32, #tpu.memory_space<hbm>>) dst(%arg6 : memref<1024x64xf32, #tpu.memory_space<vmem>>)
      %add3A_71 = arith.constant 8192 : i32
      %add3A_72 = arith.addi %add3A_71, %mul3A_32 : i32
      %add3A_73 = arith.constant 0 : i32
      %add3A_74 = arith.addi %add3A_72, %add3A_73 : i32
      "tpu.region"() ({
        %run_scoped3A = tpu.sem_alloc : memref<!tpu.dma_semaphore, #tpu.memory_space<semaphore_mem>>
        %dma_start3A_75 = arith.constant 0 : i32
        %dma_start3A_76 = tpu.memref_slice %arg4[%add3A_74, %dma_start3A_75] : memref<32768x64xf32, #tpu.memory_space<hbm>> -> memref<1024x64xf32, #tpu.memory_space<hbm>>
        %dma_start3A_77 = arith.constant 0 : i32
        %dma_start3A_78 = tpu.memref_slice %arg4[%add3A_74, %dma_start3A_77] : memref<32768x64xf32, #tpu.memory_space<hbm>> -> memref<1024x64xf32, #tpu.memory_space<hbm>>
        tpu.enqueue_dma source(%arg6 : memref<1024x64xf32, #tpu.memory_space<vmem>>) target(%dma_start3A_78 : memref<1024x64xf32, #tpu.memory_space<hbm>>) target_semaphore(%run_scoped3A : memref<!tpu.dma_semaphore, #tpu.memory_space<semaphore_mem>>)
        %dma_wait3A_79 = arith.constant 0 : i32
        %dma_wait3A_80 = tpu.memref_slice %arg4[%add3A_74, %dma_wait3A_79] : memref<32768x64xf32, #tpu.memory_space<hbm>> -> memref<1024x64xf32, #tpu.memory_space<hbm>>
        %dma_wait3A_81 = arith.constant 0 : i32
        %dma_wait3A_82 = tpu.memref_slice %arg4[%add3A_74, %dma_wait3A_81] : memref<32768x64xf32, #tpu.memory_space<hbm>> -> memref<1024x64xf32, #tpu.memory_space<hbm>>
        tpu.wait_dma2 semaphore(%run_scoped3A : memref<!tpu.dma_semaphore, #tpu.memory_space<semaphore_mem>>) src(%arg6 : memref<1024x64xf32, #tpu.memory_space<vmem>>) dst(%dma_wait3A_82 : memref<1024x64xf32, #tpu.memory_space<hbm>>)
        tpu.yield
      }) : () -> ()
    } else {
    }
    %eq3A_41 = arith.constant 2 : i32
    %eq3A_42 = arith.cmpi eq, %select_n3A, %eq3A_41 : i32
    %convert_element_type3A_43 = arith.extui %eq3A_42 : i1 to i32
    %cond3A_44 = arith.constant 0 : i32
    %cond3A_45 = arith.cmpi ne, %convert_element_type3A_43, %cond3A_44 : i32
    scf.if %cond3A_45 {
      %add3A_51 = arith.constant 16384 : i32
      %add3A_52 = arith.addi %add3A_51, %mul3A_32 : i32
      "tpu.region"() ({
        %run_scoped3A = tpu.sem_alloc : memref<!tpu.dma_semaphore, #tpu.memory_space<semaphore_mem>>
        %dma_start3A_75 = tpu.memref_slice %arg3[%add3A_52] : memref<32768xi32, #tpu.memory_space<hbm>> -> memref<1024xi32, #tpu.memory_space<hbm>>
        %dma_start3A_76 = tpu.memref_slice %arg3[%add3A_52] : memref<32768xi32, #tpu.memory_space<hbm>> -> memref<1024xi32, #tpu.memory_space<hbm>>
        tpu.enqueue_dma source(%dma_start3A_76 : memref<1024xi32, #tpu.memory_space<hbm>>) target(%arg5 : memref<1024xi32, #tpu.memory_space<vmem>>) target_semaphore(%run_scoped3A : memref<!tpu.dma_semaphore, #tpu.memory_space<semaphore_mem>>)
        %dma_wait3A_77 = tpu.memref_slice %arg3[%add3A_52] : memref<32768xi32, #tpu.memory_space<hbm>> -> memref<1024xi32, #tpu.memory_space<hbm>>
        %dma_wait3A_78 = tpu.memref_slice %arg3[%add3A_52] : memref<32768xi32, #tpu.memory_space<hbm>> -> memref<1024xi32, #tpu.memory_space<hbm>>
        tpu.wait_dma2 semaphore(%run_scoped3A : memref<!tpu.dma_semaphore, #tpu.memory_space<semaphore_mem>>) src(%dma_wait3A_78 : memref<1024xi32, #tpu.memory_space<hbm>>) dst(%arg5 : memref<1024xi32, #tpu.memory_space<vmem>>)
        tpu.yield
      }) : () -> ()
      %dma_start3A = arith.constant 2 : i32
      %dma_start3A_53 = arith.constant 0 : i32
      %dma_start3A_54 = tpu.memref_slice %arg5[%dma_start3A_53] : memref<1024xi32, #tpu.memory_space<vmem>> -> memref<1024xi32, #tpu.memory_space<vmem>>
      %dma_start3A_55 = arith.constant 0 : i32
      %dma_start3A_56 = arith.constant 0 : i32
      %dma_start3A_57 = tpu.memref_slice %arg2[%dma_start3A, %dma_start3A_55, %dma_start3A_56] : memref<4x1000x64xf32, #tpu.memory_space<hbm>> -> memref<1x1000x64xf32, #tpu.memory_space<hbm>>
      %dma_start3A_58 = tpu.memref_squeeze %dma_start3A_57 : memref<1x1000x64xf32, #tpu.memory_space<hbm>> -> memref<1000x64xf32, #tpu.memory_space<hbm>>
      %dma_start3A_59 = arith.constant 0 : i32
      %dma_start3A_60 = arith.constant 0 : i32
      %dma_start3A_61 = tpu.memref_slice %dma_start3A_58[%dma_start3A_59, %dma_start3A_60] : memref<1000x64xf32, #tpu.memory_space<hbm>> -> memref<1000x64xf32, #tpu.memory_space<hbm>>
      tpu.enqueue_indirect_dma source(%dma_start3A_61 : memref<1000x64xf32, #tpu.memory_space<hbm>>) target(%arg6 : memref<1024x64xf32, #tpu.memory_space<vmem>>) offsets(%dma_start3A_54 : memref<1024xi32, #tpu.memory_space<vmem>>) semaphore(%arg7 : memref<!tpu.dma_semaphore, #tpu.memory_space<semaphore_mem>>)
      %dma_wait3A = arith.constant 2 : i32
      %dma_wait3A_62 = arith.constant 0 : i32
      %dma_wait3A_63 = tpu.memref_slice %arg5[%dma_wait3A_62] : memref<1024xi32, #tpu.memory_space<vmem>> -> memref<1024xi32, #tpu.memory_space<vmem>>
      %dma_wait3A_64 = arith.constant 0 : i32
      %dma_wait3A_65 = arith.constant 0 : i32
      %dma_wait3A_66 = tpu.memref_slice %arg2[%dma_wait3A, %dma_wait3A_64, %dma_wait3A_65] : memref<4x1000x64xf32, #tpu.memory_space<hbm>> -> memref<1x1000x64xf32, #tpu.memory_space<hbm>>
      %dma_wait3A_67 = tpu.memref_squeeze %dma_wait3A_66 : memref<1x1000x64xf32, #tpu.memory_space<hbm>> -> memref<1000x64xf32, #tpu.memory_space<hbm>>
      %dma_wait3A_68 = arith.constant 0 : i32
      %dma_wait3A_69 = arith.constant 0 : i32
      %dma_wait3A_70 = tpu.memref_slice %dma_wait3A_67[%dma_wait3A_68, %dma_wait3A_69] : memref<1000x64xf32, #tpu.memory_space<hbm>> -> memref<1000x64xf32, #tpu.memory_space<hbm>>
      tpu.wait_indirect_dma semaphore(%arg7 : memref<!tpu.dma_semaphore, #tpu.memory_space<semaphore_mem>>) src(%dma_wait3A_70 : memref<1000x64xf32, #tpu.memory_space<hbm>>) dst(%arg6 : memref<1024x64xf32, #tpu.memory_space<vmem>>)
      %add3A_71 = arith.constant 16384 : i32
      %add3A_72 = arith.addi %add3A_71, %mul3A_32 : i32
      %add3A_73 = arith.constant 0 : i32
      %add3A_74 = arith.addi %add3A_72, %add3A_73 : i32
      "tpu.region"() ({
        %run_scoped3A = tpu.sem_alloc : memref<!tpu.dma_semaphore, #tpu.memory_space<semaphore_mem>>
        %dma_start3A_75 = arith.constant 0 : i32
        %dma_start3A_76 = tpu.memref_slice %arg4[%add3A_74, %dma_start3A_75] : memref<32768x64xf32, #tpu.memory_space<hbm>> -> memref<1024x64xf32, #tpu.memory_space<hbm>>
        %dma_start3A_77 = arith.constant 0 : i32
        %dma_start3A_78 = tpu.memref_slice %arg4[%add3A_74, %dma_start3A_77] : memref<32768x64xf32, #tpu.memory_space<hbm>> -> memref<1024x64xf32, #tpu.memory_space<hbm>>
        tpu.enqueue_dma source(%arg6 : memref<1024x64xf32, #tpu.memory_space<vmem>>) target(%dma_start3A_78 : memref<1024x64xf32, #tpu.memory_space<hbm>>) target_semaphore(%run_scoped3A : memref<!tpu.dma_semaphore, #tpu.memory_space<semaphore_mem>>)
        %dma_wait3A_79 = arith.constant 0 : i32
        %dma_wait3A_80 = tpu.memref_slice %arg4[%add3A_74, %dma_wait3A_79] : memref<32768x64xf32, #tpu.memory_space<hbm>> -> memref<1024x64xf32, #tpu.memory_space<hbm>>
        %dma_wait3A_81 = arith.constant 0 : i32
        %dma_wait3A_82 = tpu.memref_slice %arg4[%add3A_74, %dma_wait3A_81] : memref<32768x64xf32, #tpu.memory_space<hbm>> -> memref<1024x64xf32, #tpu.memory_space<hbm>>
        tpu.wait_dma2 semaphore(%run_scoped3A : memref<!tpu.dma_semaphore, #tpu.memory_space<semaphore_mem>>) src(%arg6 : memref<1024x64xf32, #tpu.memory_space<vmem>>) dst(%dma_wait3A_82 : memref<1024x64xf32, #tpu.memory_space<hbm>>)
        tpu.yield
      }) : () -> ()
    } else {
    }
    %eq3A_46 = arith.constant 3 : i32
    %eq3A_47 = arith.cmpi eq, %select_n3A, %eq3A_46 : i32
    %convert_element_type3A_48 = arith.extui %eq3A_47 : i1 to i32
    %cond3A_49 = arith.constant 0 : i32
    %cond3A_50 = arith.cmpi ne, %convert_element_type3A_48, %cond3A_49 : i32
    scf.if %cond3A_50 {
      %add3A_51 = arith.constant 24576 : i32
      %add3A_52 = arith.addi %add3A_51, %mul3A_32 : i32
      "tpu.region"() ({
        %run_scoped3A = tpu.sem_alloc : memref<!tpu.dma_semaphore, #tpu.memory_space<semaphore_mem>>
        %dma_start3A_75 = tpu.memref_slice %arg3[%add3A_52] : memref<32768xi32, #tpu.memory_space<hbm>> -> memref<1024xi32, #tpu.memory_space<hbm>>
        %dma_start3A_76 = tpu.memref_slice %arg3[%add3A_52] : memref<32768xi32, #tpu.memory_space<hbm>> -> memref<1024xi32, #tpu.memory_space<hbm>>
        tpu.enqueue_dma source(%dma_start3A_76 : memref<1024xi32, #tpu.memory_space<hbm>>) target(%arg5 : memref<1024xi32, #tpu.memory_space<vmem>>) target_semaphore(%run_scoped3A : memref<!tpu.dma_semaphore, #tpu.memory_space<semaphore_mem>>)
        %dma_wait3A_77 = tpu.memref_slice %arg3[%add3A_52] : memref<32768xi32, #tpu.memory_space<hbm>> -> memref<1024xi32, #tpu.memory_space<hbm>>
        %dma_wait3A_78 = tpu.memref_slice %arg3[%add3A_52] : memref<32768xi32, #tpu.memory_space<hbm>> -> memref<1024xi32, #tpu.memory_space<hbm>>
        tpu.wait_dma2 semaphore(%run_scoped3A : memref<!tpu.dma_semaphore, #tpu.memory_space<semaphore_mem>>) src(%dma_wait3A_78 : memref<1024xi32, #tpu.memory_space<hbm>>) dst(%arg5 : memref<1024xi32, #tpu.memory_space<vmem>>)
        tpu.yield
      }) : () -> ()
      %dma_start3A = arith.constant 3 : i32
      %dma_start3A_53 = arith.constant 0 : i32
      %dma_start3A_54 = tpu.memref_slice %arg5[%dma_start3A_53] : memref<1024xi32, #tpu.memory_space<vmem>> -> memref<1024xi32, #tpu.memory_space<vmem>>
      %dma_start3A_55 = arith.constant 0 : i32
      %dma_start3A_56 = arith.constant 0 : i32
      %dma_start3A_57 = tpu.memref_slice %arg2[%dma_start3A, %dma_start3A_55, %dma_start3A_56] : memref<4x1000x64xf32, #tpu.memory_space<hbm>> -> memref<1x1000x64xf32, #tpu.memory_space<hbm>>
      %dma_start3A_58 = tpu.memref_squeeze %dma_start3A_57 : memref<1x1000x64xf32, #tpu.memory_space<hbm>> -> memref<1000x64xf32, #tpu.memory_space<hbm>>
      %dma_start3A_59 = arith.constant 0 : i32
      %dma_start3A_60 = arith.constant 0 : i32
      %dma_start3A_61 = tpu.memref_slice %dma_start3A_58[%dma_start3A_59, %dma_start3A_60] : memref<1000x64xf32, #tpu.memory_space<hbm>> -> memref<1000x64xf32, #tpu.memory_space<hbm>>
      tpu.enqueue_indirect_dma source(%dma_start3A_61 : memref<1000x64xf32, #tpu.memory_space<hbm>>) target(%arg6 : memref<1024x64xf32, #tpu.memory_space<vmem>>) offsets(%dma_start3A_54 : memref<1024xi32, #tpu.memory_space<vmem>>) semaphore(%arg7 : memref<!tpu.dma_semaphore, #tpu.memory_space<semaphore_mem>>)
      %dma_wait3A = arith.constant 3 : i32
      %dma_wait3A_62 = arith.constant 0 : i32
      %dma_wait3A_63 = tpu.memref_slice %arg5[%dma_wait3A_62] : memref<1024xi32, #tpu.memory_space<vmem>> -> memref<1024xi32, #tpu.memory_space<vmem>>
      %dma_wait3A_64 = arith.constant 0 : i32
      %dma_wait3A_65 = arith.constant 0 : i32
      %dma_wait3A_66 = tpu.memref_slice %arg2[%dma_wait3A, %dma_wait3A_64, %dma_wait3A_65] : memref<4x1000x64xf32, #tpu.memory_space<hbm>> -> memref<1x1000x64xf32, #tpu.memory_space<hbm>>
      %dma_wait3A_67 = tpu.memref_squeeze %dma_wait3A_66 : memref<1x1000x64xf32, #tpu.memory_space<hbm>> -> memref<1000x64xf32, #tpu.memory_space<hbm>>
      %dma_wait3A_68 = arith.constant 0 : i32
      %dma_wait3A_69 = arith.constant 0 : i32
      %dma_wait3A_70 = tpu.memref_slice %dma_wait3A_67[%dma_wait3A_68, %dma_wait3A_69] : memref<1000x64xf32, #tpu.memory_space<hbm>> -> memref<1000x64xf32, #tpu.memory_space<hbm>>
      tpu.wait_indirect_dma semaphore(%arg7 : memref<!tpu.dma_semaphore, #tpu.memory_space<semaphore_mem>>) src(%dma_wait3A_70 : memref<1000x64xf32, #tpu.memory_space<hbm>>) dst(%arg6 : memref<1024x64xf32, #tpu.memory_space<vmem>>)
      %add3A_71 = arith.constant 24576 : i32
      %add3A_72 = arith.addi %add3A_71, %mul3A_32 : i32
      %add3A_73 = arith.constant 0 : i32
      %add3A_74 = arith.addi %add3A_72, %add3A_73 : i32
      "tpu.region"() ({
        %run_scoped3A = tpu.sem_alloc : memref<!tpu.dma_semaphore, #tpu.memory_space<semaphore_mem>>
        %dma_start3A_75 = arith.constant 0 : i32
        %dma_start3A_76 = tpu.memref_slice %arg4[%add3A_74, %dma_start3A_75] : memref<32768x64xf32, #tpu.memory_space<hbm>> -> memref<1024x64xf32, #tpu.memory_space<hbm>>
        %dma_start3A_77 = arith.constant 0 : i32
        %dma_start3A_78 = tpu.memref_slice %arg4[%add3A_74, %dma_start3A_77] : memref<32768x64xf32, #tpu.memory_space<hbm>> -> memref<1024x64xf32, #tpu.memory_space<hbm>>
        tpu.enqueue_dma source(%arg6 : memref<1024x64xf32, #tpu.memory_space<vmem>>) target(%dma_start3A_78 : memref<1024x64xf32, #tpu.memory_space<hbm>>) target_semaphore(%run_scoped3A : memref<!tpu.dma_semaphore, #tpu.memory_space<semaphore_mem>>)
        %dma_wait3A_79 = arith.constant 0 : i32
        %dma_wait3A_80 = tpu.memref_slice %arg4[%add3A_74, %dma_wait3A_79] : memref<32768x64xf32, #tpu.memory_space<hbm>> -> memref<1024x64xf32, #tpu.memory_space<hbm>>
        %dma_wait3A_81 = arith.constant 0 : i32
        %dma_wait3A_82 = tpu.memref_slice %arg4[%add3A_74, %dma_wait3A_81] : memref<32768x64xf32, #tpu.memory_space<hbm>> -> memref<1024x64xf32, #tpu.memory_space<hbm>>
        tpu.wait_dma2 semaphore(%run_scoped3A : memref<!tpu.dma_semaphore, #tpu.memory_space<semaphore_mem>>) src(%arg6 : memref<1024x64xf32, #tpu.memory_space<vmem>>) dst(%dma_wait3A_82 : memref<1024x64xf32, #tpu.memory_space<hbm>>)
        tpu.yield
      }) : () -> ()
    } else {
    }
    return
  }
}

module attributes {stable_mosaic.version = 14 : i64} {
  func.func @_mlp_body(%arg0: i32, %arg1: memref<1024x128xf32, #tpu.memory_space<vmem>>, %arg2: memref<1024x128xf32, #tpu.memory_space<vmem>>, %arg3: memref<1024x128xf32, #tpu.memory_space<vmem>>, %arg4: memref<1024x128xf32, #tpu.memory_space<vmem>>, %arg5: memref<256x512xf32, #tpu.memory_space<vmem>>, %arg6: memref<1x512xf32, #tpu.memory_space<vmem>>, %arg7: memref<512x256xf32, #tpu.memory_space<vmem>>, %arg8: memref<1x256xf32, #tpu.memory_space<vmem>>, %arg9: memref<16384x256xf32, #tpu.memory_space<any>>, %arg10: memref<2048x256xf32, #tpu.memory_space<vmem>>) attributes {dimension_semantics = [#tpu.dimension_semantics<arbitrary>], iteration_bounds = array<i64: 4>, scalar_prefetch = 0 : i64, scratch_operands = 0 : i64, tpu.core_type = #tpu.core_type<tc>, window_params = [{transform_indices = @transform_0, window_bounds = array<i64: 1024, 128>}, {transform_indices = @transform_1, window_bounds = array<i64: 1024, 128>}, {transform_indices = @transform_2, window_bounds = array<i64: 1024, 128>}, {transform_indices = @transform_3, window_bounds = array<i64: 1024, 128>}, {pipeline_mode = #tpu.pipeline_mode<synchronous>, transform_indices = @transform_4, window_bounds = array<i64: 256, 512>}, {pipeline_mode = #tpu.pipeline_mode<synchronous>, transform_indices = @transform_5, window_bounds = array<i64: 1, 512>}, {pipeline_mode = #tpu.pipeline_mode<synchronous>, transform_indices = @transform_6, window_bounds = array<i64: 512, 256>}, {pipeline_mode = #tpu.pipeline_mode<synchronous>, transform_indices = @transform_7, window_bounds = array<i64: 1, 256>}, {}, {transform_indices = @transform_9, window_bounds = array<i64: 2048, 256>}]} {
    %get3A = arith.constant 0 : index
    %get3A_0 = arith.constant 0 : index
    %get3A_1 = vector.load %arg1[%get3A, %get3A_0] : memref<1024x128xf32, #tpu.memory_space<vmem>>, vector<1024x128xf32>
    %broadcast_in_dim3A = vector.shape_cast %get3A_1 : vector<1024x128xf32> to vector<1024x1x128xf32>
    %broadcast_in_dim3A_2 = vector.shape_cast %broadcast_in_dim3A : vector<1024x1x128xf32> to vector<1024x1x128xf32>
    %broadcast_in_dim3A_3 = vector.broadcast %broadcast_in_dim3A_2 : vector<1024x1x128xf32> to vector<1024x2x128xf32>
    %reshape3A = vector.shape_cast %broadcast_in_dim3A_3 : vector<1024x2x128xf32> to vector<2048x128xf32>
    %iota3A = tpu.iota {dimensions = array<i32: 0>} : vector<2048x64xi32>
    %jit3A = arith.constant 2 : i32
    %eq3A = arith.constant 0 : i32
    %eq3A_4 = arith.cmpi eq, %jit3A, %eq3A : i32
    %jit3A_5 = arith.constant 1 : i32
    %select_n3A = arith.select %eq3A_4, %jit3A_5, %jit3A : i32
    %rem3A = vector.broadcast %select_n3A : i32 to vector<2048x64xi32>
    %rem3A_6 = arith.remsi %iota3A, %rem3A : vector<2048x64xi32>
    %ne3A = arith.constant 0 : i32
    %ne3A_7 = vector.broadcast %ne3A : i32 to vector<2048x64xi32>
    %ne3A_8 = arith.cmpi ne, %rem3A_6, %ne3A_7 : vector<2048x64xi32>
    %lt3A = arith.constant 0 : i32
    %lt3A_9 = vector.broadcast %lt3A : i32 to vector<2048x64xi32>
    %lt3A_10 = arith.cmpi slt, %rem3A_6, %lt3A_9 : vector<2048x64xi32>
    %lt3A_11 = arith.constant 0 : i32
    %lt3A_12 = arith.cmpi slt, %select_n3A, %lt3A_11 : i32
    %ne3A_13 = vector.broadcast %lt3A_12 : i1 to vector<2048x64xi1>
    %ne3A_14 = vector.broadcast %ne3A_13 : vector<2048x64xi1> to vector<2048x64xi1>
    %ne3A_15 = arith.xori %lt3A_10, %ne3A_14 : vector<2048x64xi1>
    %and3A = arith.andi %ne3A_15, %ne3A_8 : vector<2048x64xi1>
    %add3A = vector.broadcast %select_n3A : i32 to vector<2048x64xi32>
    %add3A_16 = arith.addi %rem3A_6, %add3A : vector<2048x64xi32>
    %select_n3A_17 = arith.select %and3A, %add3A_16, %rem3A_6 : vector<2048x64xi1>, vector<2048x64xi32>
    %eq3A_18 = arith.constant 0 : i32
    %eq3A_19 = vector.broadcast %eq3A_18 : i32 to vector<2048x64xi32>
    %eq3A_20 = arith.cmpi eq, %select_n3A_17, %eq3A_19 : vector<2048x64xi32>
    %slice3A = vector.extract_strided_slice %reshape3A {offsets = [0, 0], sizes = [2048, 64], strides = [1, 1]} : vector<2048x128xf32> to vector<2048x64xf32>
    %slice3A_21 = vector.extract_strided_slice %reshape3A {offsets = [0, 64], sizes = [2048, 64], strides = [1, 1]} : vector<2048x128xf32> to vector<2048x64xf32>
    %select_n3A_22 = arith.select %eq3A_20, %slice3A, %slice3A_21 : vector<2048x64xi1>, vector<2048x64xf32>
    %get3A_23 = arith.constant 0 : index
    %get3A_24 = arith.constant 0 : index
    %get3A_25 = vector.load %arg2[%get3A_23, %get3A_24] : memref<1024x128xf32, #tpu.memory_space<vmem>>, vector<1024x128xf32>
    %broadcast_in_dim3A_26 = vector.shape_cast %get3A_25 : vector<1024x128xf32> to vector<1024x1x128xf32>
    %broadcast_in_dim3A_27 = vector.shape_cast %broadcast_in_dim3A_26 : vector<1024x1x128xf32> to vector<1024x1x128xf32>
    %broadcast_in_dim3A_28 = vector.broadcast %broadcast_in_dim3A_27 : vector<1024x1x128xf32> to vector<1024x2x128xf32>
    %reshape3A_29 = vector.shape_cast %broadcast_in_dim3A_28 : vector<1024x2x128xf32> to vector<2048x128xf32>
    %iota3A_30 = tpu.iota {dimensions = array<i32: 0>} : vector<2048x64xi32>
    %jit3A_31 = arith.constant 2 : i32
    %eq3A_32 = arith.constant 0 : i32
    %eq3A_33 = arith.cmpi eq, %jit3A_31, %eq3A_32 : i32
    %jit3A_34 = arith.constant 1 : i32
    %select_n3A_35 = arith.select %eq3A_33, %jit3A_34, %jit3A_31 : i32
    %rem3A_36 = vector.broadcast %select_n3A_35 : i32 to vector<2048x64xi32>
    %rem3A_37 = arith.remsi %iota3A_30, %rem3A_36 : vector<2048x64xi32>
    %ne3A_38 = arith.constant 0 : i32
    %ne3A_39 = vector.broadcast %ne3A_38 : i32 to vector<2048x64xi32>
    %ne3A_40 = arith.cmpi ne, %rem3A_37, %ne3A_39 : vector<2048x64xi32>
    %lt3A_41 = arith.constant 0 : i32
    %lt3A_42 = vector.broadcast %lt3A_41 : i32 to vector<2048x64xi32>
    %lt3A_43 = arith.cmpi slt, %rem3A_37, %lt3A_42 : vector<2048x64xi32>
    %lt3A_44 = arith.constant 0 : i32
    %lt3A_45 = arith.cmpi slt, %select_n3A_35, %lt3A_44 : i32
    %ne3A_46 = vector.broadcast %lt3A_45 : i1 to vector<2048x64xi1>
    %ne3A_47 = vector.broadcast %ne3A_46 : vector<2048x64xi1> to vector<2048x64xi1>
    %ne3A_48 = arith.xori %lt3A_43, %ne3A_47 : vector<2048x64xi1>
    %and3A_49 = arith.andi %ne3A_48, %ne3A_40 : vector<2048x64xi1>
    %add3A_50 = vector.broadcast %select_n3A_35 : i32 to vector<2048x64xi32>
    %add3A_51 = arith.addi %rem3A_37, %add3A_50 : vector<2048x64xi32>
    %select_n3A_52 = arith.select %and3A_49, %add3A_51, %rem3A_37 : vector<2048x64xi1>, vector<2048x64xi32>
    %eq3A_53 = arith.constant 0 : i32
    %eq3A_54 = vector.broadcast %eq3A_53 : i32 to vector<2048x64xi32>
    %eq3A_55 = arith.cmpi eq, %select_n3A_52, %eq3A_54 : vector<2048x64xi32>
    %slice3A_56 = vector.extract_strided_slice %reshape3A_29 {offsets = [0, 0], sizes = [2048, 64], strides = [1, 1]} : vector<2048x128xf32> to vector<2048x64xf32>
    %slice3A_57 = vector.extract_strided_slice %reshape3A_29 {offsets = [0, 64], sizes = [2048, 64], strides = [1, 1]} : vector<2048x128xf32> to vector<2048x64xf32>
    %select_n3A_58 = arith.select %eq3A_55, %slice3A_56, %slice3A_57 : vector<2048x64xi1>, vector<2048x64xf32>
    %get3A_59 = arith.constant 0 : index
    %get3A_60 = arith.constant 0 : index
    %get3A_61 = vector.load %arg3[%get3A_59, %get3A_60] : memref<1024x128xf32, #tpu.memory_space<vmem>>, vector<1024x128xf32>
    %broadcast_in_dim3A_62 = vector.shape_cast %get3A_61 : vector<1024x128xf32> to vector<1024x1x128xf32>
    %broadcast_in_dim3A_63 = vector.shape_cast %broadcast_in_dim3A_62 : vector<1024x1x128xf32> to vector<1024x1x128xf32>
    %broadcast_in_dim3A_64 = vector.broadcast %broadcast_in_dim3A_63 : vector<1024x1x128xf32> to vector<1024x2x128xf32>
    %reshape3A_65 = vector.shape_cast %broadcast_in_dim3A_64 : vector<1024x2x128xf32> to vector<2048x128xf32>
    %iota3A_66 = tpu.iota {dimensions = array<i32: 0>} : vector<2048x64xi32>
    %jit3A_67 = arith.constant 2 : i32
    %eq3A_68 = arith.constant 0 : i32
    %eq3A_69 = arith.cmpi eq, %jit3A_67, %eq3A_68 : i32
    %jit3A_70 = arith.constant 1 : i32
    %select_n3A_71 = arith.select %eq3A_69, %jit3A_70, %jit3A_67 : i32
    %rem3A_72 = vector.broadcast %select_n3A_71 : i32 to vector<2048x64xi32>
    %rem3A_73 = arith.remsi %iota3A_66, %rem3A_72 : vector<2048x64xi32>
    %ne3A_74 = arith.constant 0 : i32
    %ne3A_75 = vector.broadcast %ne3A_74 : i32 to vector<2048x64xi32>
    %ne3A_76 = arith.cmpi ne, %rem3A_73, %ne3A_75 : vector<2048x64xi32>
    %lt3A_77 = arith.constant 0 : i32
    %lt3A_78 = vector.broadcast %lt3A_77 : i32 to vector<2048x64xi32>
    %lt3A_79 = arith.cmpi slt, %rem3A_73, %lt3A_78 : vector<2048x64xi32>
    %lt3A_80 = arith.constant 0 : i32
    %lt3A_81 = arith.cmpi slt, %select_n3A_71, %lt3A_80 : i32
    %ne3A_82 = vector.broadcast %lt3A_81 : i1 to vector<2048x64xi1>
    %ne3A_83 = vector.broadcast %ne3A_82 : vector<2048x64xi1> to vector<2048x64xi1>
    %ne3A_84 = arith.xori %lt3A_79, %ne3A_83 : vector<2048x64xi1>
    %and3A_85 = arith.andi %ne3A_84, %ne3A_76 : vector<2048x64xi1>
    %add3A_86 = vector.broadcast %select_n3A_71 : i32 to vector<2048x64xi32>
    %add3A_87 = arith.addi %rem3A_73, %add3A_86 : vector<2048x64xi32>
    %select_n3A_88 = arith.select %and3A_85, %add3A_87, %rem3A_73 : vector<2048x64xi1>, vector<2048x64xi32>
    %eq3A_89 = arith.constant 0 : i32
    %eq3A_90 = vector.broadcast %eq3A_89 : i32 to vector<2048x64xi32>
    %eq3A_91 = arith.cmpi eq, %select_n3A_88, %eq3A_90 : vector<2048x64xi32>
    %slice3A_92 = vector.extract_strided_slice %reshape3A_65 {offsets = [0, 0], sizes = [2048, 64], strides = [1, 1]} : vector<2048x128xf32> to vector<2048x64xf32>
    %slice3A_93 = vector.extract_strided_slice %reshape3A_65 {offsets = [0, 64], sizes = [2048, 64], strides = [1, 1]} : vector<2048x128xf32> to vector<2048x64xf32>
    %select_n3A_94 = arith.select %eq3A_91, %slice3A_92, %slice3A_93 : vector<2048x64xi1>, vector<2048x64xf32>
    %get3A_95 = arith.constant 0 : index
    %get3A_96 = arith.constant 0 : index
    %get3A_97 = vector.load %arg4[%get3A_95, %get3A_96] : memref<1024x128xf32, #tpu.memory_space<vmem>>, vector<1024x128xf32>
    %broadcast_in_dim3A_98 = vector.shape_cast %get3A_97 : vector<1024x128xf32> to vector<1024x1x128xf32>
    %broadcast_in_dim3A_99 = vector.shape_cast %broadcast_in_dim3A_98 : vector<1024x1x128xf32> to vector<1024x1x128xf32>
    %broadcast_in_dim3A_100 = vector.broadcast %broadcast_in_dim3A_99 : vector<1024x1x128xf32> to vector<1024x2x128xf32>
    %reshape3A_101 = vector.shape_cast %broadcast_in_dim3A_100 : vector<1024x2x128xf32> to vector<2048x128xf32>
    %iota3A_102 = tpu.iota {dimensions = array<i32: 0>} : vector<2048x64xi32>
    %jit3A_103 = arith.constant 2 : i32
    %eq3A_104 = arith.constant 0 : i32
    %eq3A_105 = arith.cmpi eq, %jit3A_103, %eq3A_104 : i32
    %jit3A_106 = arith.constant 1 : i32
    %select_n3A_107 = arith.select %eq3A_105, %jit3A_106, %jit3A_103 : i32
    %rem3A_108 = vector.broadcast %select_n3A_107 : i32 to vector<2048x64xi32>
    %rem3A_109 = arith.remsi %iota3A_102, %rem3A_108 : vector<2048x64xi32>
    %ne3A_110 = arith.constant 0 : i32
    %ne3A_111 = vector.broadcast %ne3A_110 : i32 to vector<2048x64xi32>
    %ne3A_112 = arith.cmpi ne, %rem3A_109, %ne3A_111 : vector<2048x64xi32>
    %lt3A_113 = arith.constant 0 : i32
    %lt3A_114 = vector.broadcast %lt3A_113 : i32 to vector<2048x64xi32>
    %lt3A_115 = arith.cmpi slt, %rem3A_109, %lt3A_114 : vector<2048x64xi32>
    %lt3A_116 = arith.constant 0 : i32
    %lt3A_117 = arith.cmpi slt, %select_n3A_107, %lt3A_116 : i32
    %ne3A_118 = vector.broadcast %lt3A_117 : i1 to vector<2048x64xi1>
    %ne3A_119 = vector.broadcast %ne3A_118 : vector<2048x64xi1> to vector<2048x64xi1>
    %ne3A_120 = arith.xori %lt3A_115, %ne3A_119 : vector<2048x64xi1>
    %and3A_121 = arith.andi %ne3A_120, %ne3A_112 : vector<2048x64xi1>
    %add3A_122 = vector.broadcast %select_n3A_107 : i32 to vector<2048x64xi32>
    %add3A_123 = arith.addi %rem3A_109, %add3A_122 : vector<2048x64xi32>
    %select_n3A_124 = arith.select %and3A_121, %add3A_123, %rem3A_109 : vector<2048x64xi1>, vector<2048x64xi32>
    %eq3A_125 = arith.constant 0 : i32
    %eq3A_126 = vector.broadcast %eq3A_125 : i32 to vector<2048x64xi32>
    %eq3A_127 = arith.cmpi eq, %select_n3A_124, %eq3A_126 : vector<2048x64xi32>
    %slice3A_128 = vector.extract_strided_slice %reshape3A_101 {offsets = [0, 0], sizes = [2048, 64], strides = [1, 1]} : vector<2048x128xf32> to vector<2048x64xf32>
    %slice3A_129 = vector.extract_strided_slice %reshape3A_101 {offsets = [0, 64], sizes = [2048, 64], strides = [1, 1]} : vector<2048x128xf32> to vector<2048x64xf32>
    %select_n3A_130 = arith.select %eq3A_127, %slice3A_128, %slice3A_129 : vector<2048x64xi1>, vector<2048x64xf32>
    %concatenate3A = tpu.concatenate %select_n3A_22, %select_n3A_58, %select_n3A_94, %select_n3A_130 in 1 : vector<2048x64xf32>, vector<2048x64xf32>, vector<2048x64xf32>, vector<2048x64xf32> -> vector<2048x256xf32>
    %get3A_131 = arith.constant 0 : index
    %get3A_132 = arith.constant 0 : index
    %get3A_133 = vector.load %arg5[%get3A_131, %get3A_132] : memref<256x512xf32, #tpu.memory_space<vmem>>, vector<256x512xf32>
    %dot_general3A = arith.constant dense<0.000000e+00> : vector<2048x512xf32>
    %dot_general3A_134 = tpu.matmul %concatenate3A, %get3A_133, %dot_general3A {dimension_numbers = #tpu.dot_dimension_numbers<[1], [0], [0], [1], [0, 0, 1, 1], [], []>, transpose_lhs_hint = false} : vector<2048x256xf32>, vector<256x512xf32>, vector<2048x512xf32> -> vector<2048x512xf32>
    %get3A_135 = arith.constant 0 : index
    %get3A_136 = arith.constant 0 : index
    %get3A_137 = vector.load %arg6[%get3A_135, %get3A_136] : memref<1x512xf32, #tpu.memory_space<vmem>>, vector<1x512xf32>
    %add3A_138 = vector.broadcast %get3A_137 : vector<1x512xf32> to vector<2048x512xf32>
    %add3A_139 = arith.addf %dot_general3A_134, %add3A_138 : vector<2048x512xf32>
    %max3A = arith.constant 0.000000e+00 : f32
    %max3A_140 = vector.broadcast %max3A : f32 to vector<2048x512xf32>
    %max3A_141 = arith.maximumf %add3A_139, %max3A_140 : vector<2048x512xf32>
    %get3A_142 = arith.constant 0 : index
    %get3A_143 = arith.constant 0 : index
    %get3A_144 = vector.load %arg7[%get3A_142, %get3A_143] : memref<512x256xf32, #tpu.memory_space<vmem>>, vector<512x256xf32>
    %dot_general3A_145 = arith.constant dense<0.000000e+00> : vector<2048x256xf32>
    %dot_general3A_146 = tpu.matmul %max3A_141, %get3A_144, %dot_general3A_145 {dimension_numbers = #tpu.dot_dimension_numbers<[1], [0], [0], [1], [0, 0, 1, 1], [], []>, transpose_lhs_hint = false} : vector<2048x512xf32>, vector<512x256xf32>, vector<2048x256xf32> -> vector<2048x256xf32>
    %get3A_147 = arith.constant 0 : index
    %get3A_148 = arith.constant 0 : index
    %get3A_149 = vector.load %arg8[%get3A_147, %get3A_148] : memref<1x256xf32, #tpu.memory_space<vmem>>, vector<1x256xf32>
    %add3A_150 = vector.broadcast %get3A_149 : vector<1x256xf32> to vector<2048x256xf32>
    %add3A_151 = arith.addf %dot_general3A_146, %add3A_150 : vector<2048x256xf32>
    %swap3A = arith.constant 0 : index
    %swap3A_152 = arith.constant 0 : index
    %swap3A_153 = vector.load %arg10[%swap3A, %swap3A_152] : memref<2048x256xf32, #tpu.memory_space<vmem>>, vector<2048x256xf32>
    tpu.vector_store %arg10[%swap3A, %swap3A_152], %add3A_151 {strides = array<i32>} : memref<2048x256xf32, #tpu.memory_space<vmem>>, vector<2048x256xf32>,
    return
  }
  func.func @transform_0(%arg0: i32) -> (i32, i32) {
    %add3A = arith.constant 0 : i32
    %add3A_0 = arith.addi %add3A, %arg0 : i32
    %c0_i32 = arith.constant 0 : i32
    %c0_i32_1 = arith.constant 0 : i32
    return %add3A_0, %c0_i32 : i32, i32
  }
  func.func @transform_1(%arg0: i32) -> (i32, i32) {
    %add3A = arith.constant 4 : i32
    %add3A_0 = arith.addi %add3A, %arg0 : i32
    %c0_i32 = arith.constant 0 : i32
    %c0_i32_1 = arith.constant 0 : i32
    return %add3A_0, %c0_i32 : i32, i32
  }
  func.func @transform_2(%arg0: i32) -> (i32, i32) {
    %add3A = arith.constant 8 : i32
    %add3A_0 = arith.addi %add3A, %arg0 : i32
    %c0_i32 = arith.constant 0 : i32
    %c0_i32_1 = arith.constant 0 : i32
    return %add3A_0, %c0_i32 : i32, i32
  }
  func.func @transform_3(%arg0: i32) -> (i32, i32) {
    %add3A = arith.constant 12 : i32
    %add3A_0 = arith.addi %add3A, %arg0 : i32
    %c0_i32 = arith.constant 0 : i32
    %c0_i32_1 = arith.constant 0 : i32
    return %add3A_0, %c0_i32 : i32, i32
  }
  func.func @transform_4(%arg0: i32) -> (i32, i32) {
    %c0_i32 = arith.constant 0 : i32
    %c0_i32_0 = arith.constant 0 : i32
    %c0_i32_1 = arith.constant 0 : i32
    return %c0_i32, %c0_i32_0 : i32, i32
  }
  func.func @transform_5(%arg0: i32) -> (i32, i32) {
    %c0_i32 = arith.constant 0 : i32
    %c0_i32_0 = arith.constant 0 : i32
    %c0_i32_1 = arith.constant 0 : i32
    return %c0_i32, %c0_i32_0 : i32, i32
  }
  func.func @transform_6(%arg0: i32) -> (i32, i32) {
    %c0_i32 = arith.constant 0 : i32
    %c0_i32_0 = arith.constant 0 : i32
    %c0_i32_1 = arith.constant 0 : i32
    return %c0_i32, %c0_i32_0 : i32, i32
  }
  func.func @transform_7(%arg0: i32) -> (i32, i32) {
    %c0_i32 = arith.constant 0 : i32
    %c0_i32_0 = arith.constant 0 : i32
    %c0_i32_1 = arith.constant 0 : i32
    return %c0_i32, %c0_i32_0 : i32, i32
  }
  func.func @transform_9(%arg0: i32) -> (i32, i32) {
    %add3A = arith.constant 4 : i32
    %add3A_0 = arith.addi %add3A, %arg0 : i32
    %c0_i32 = arith.constant 0 : i32
    %c0_i32_1 = arith.constant 0 : i32
    return %add3A_0, %c0_i32 : i32, i32
  }
}

module attributes {stable_mosaic.version = 14 : i64} {
  func.func @_mlp_body(%arg0: i32, %arg1: memref<1024x128xf32, #tpu.memory_space<vmem>>, %arg2: memref<1024x128xf32, #tpu.memory_space<vmem>>, %arg3: memref<1024x128xf32, #tpu.memory_space<vmem>>, %arg4: memref<1024x128xf32, #tpu.memory_space<vmem>>, %arg5: memref<256x512xf32, #tpu.memory_space<vmem>>, %arg6: memref<1x512xf32, #tpu.memory_space<vmem>>, %arg7: memref<512x256xf32, #tpu.memory_space<vmem>>, %arg8: memref<1x256xf32, #tpu.memory_space<vmem>>, %arg9: memref<2048x256xf32, #tpu.memory_space<vmem>>) attributes {dimension_semantics = [#tpu.dimension_semantics<arbitrary>], iteration_bounds = array<i64: 4>, scalar_prefetch = 0 : i64, scratch_operands = 0 : i64, tpu.core_type = #tpu.core_type<tc>, window_params = [{transform_indices = @transform_0, window_bounds = array<i64: 1024, 128>}, {transform_indices = @transform_1, window_bounds = array<i64: 1024, 128>}, {transform_indices = @transform_2, window_bounds = array<i64: 1024, 128>}, {transform_indices = @transform_3, window_bounds = array<i64: 1024, 128>}, {pipeline_mode = #tpu.pipeline_mode<synchronous>, transform_indices = @transform_4, window_bounds = array<i64: 256, 512>}, {pipeline_mode = #tpu.pipeline_mode<synchronous>, transform_indices = @transform_5, window_bounds = array<i64: 1, 512>}, {pipeline_mode = #tpu.pipeline_mode<synchronous>, transform_indices = @transform_6, window_bounds = array<i64: 512, 256>}, {pipeline_mode = #tpu.pipeline_mode<synchronous>, transform_indices = @transform_7, window_bounds = array<i64: 1, 256>}, {transform_indices = @transform_8, window_bounds = array<i64: 2048, 256>}]} {
    %get3A = arith.constant 0 : index
    %get3A_0 = arith.constant 0 : index
    %get3A_1 = vector.load %arg1[%get3A, %get3A_0] : memref<1024x128xf32, #tpu.memory_space<vmem>>, vector<1024x128xf32>
    %broadcast_in_dim3A = vector.shape_cast %get3A_1 : vector<1024x128xf32> to vector<1024x1x128xf32>
    %broadcast_in_dim3A_2 = vector.shape_cast %broadcast_in_dim3A : vector<1024x1x128xf32> to vector<1024x1x128xf32>
    %broadcast_in_dim3A_3 = vector.broadcast %broadcast_in_dim3A_2 : vector<1024x1x128xf32> to vector<1024x2x128xf32>
    %reshape3A = vector.shape_cast %broadcast_in_dim3A_3 : vector<1024x2x128xf32> to vector<2048x128xf32>
    %iota3A = tpu.iota {dimensions = array<i32: 0>} : vector<2048x64xi32>
    %jit3A = arith.constant 2 : i32
    %eq3A = arith.constant 0 : i32
    %eq3A_4 = arith.cmpi eq, %jit3A, %eq3A : i32
    %jit3A_5 = arith.constant 1 : i32
    %select_n3A = arith.select %eq3A_4, %jit3A_5, %jit3A : i32
    %rem3A = vector.broadcast %select_n3A : i32 to vector<2048x64xi32>
    %rem3A_6 = arith.remsi %iota3A, %rem3A : vector<2048x64xi32>
    %ne3A = arith.constant 0 : i32
    %ne3A_7 = vector.broadcast %ne3A : i32 to vector<2048x64xi32>
    %ne3A_8 = arith.cmpi ne, %rem3A_6, %ne3A_7 : vector<2048x64xi32>
    %lt3A = arith.constant 0 : i32
    %lt3A_9 = vector.broadcast %lt3A : i32 to vector<2048x64xi32>
    %lt3A_10 = arith.cmpi slt, %rem3A_6, %lt3A_9 : vector<2048x64xi32>
    %lt3A_11 = arith.constant 0 : i32
    %lt3A_12 = arith.cmpi slt, %select_n3A, %lt3A_11 : i32
    %ne3A_13 = vector.broadcast %lt3A_12 : i1 to vector<2048x64xi1>
    %ne3A_14 = vector.broadcast %ne3A_13 : vector<2048x64xi1> to vector<2048x64xi1>
    %ne3A_15 = arith.xori %lt3A_10, %ne3A_14 : vector<2048x64xi1>
    %and3A = arith.andi %ne3A_15, %ne3A_8 : vector<2048x64xi1>
    %add3A = vector.broadcast %select_n3A : i32 to vector<2048x64xi32>
    %add3A_16 = arith.addi %rem3A_6, %add3A : vector<2048x64xi32>
    %select_n3A_17 = arith.select %and3A, %add3A_16, %rem3A_6 : vector<2048x64xi1>, vector<2048x64xi32>
    %eq3A_18 = arith.constant 0 : i32
    %eq3A_19 = vector.broadcast %eq3A_18 : i32 to vector<2048x64xi32>
    %eq3A_20 = arith.cmpi eq, %select_n3A_17, %eq3A_19 : vector<2048x64xi32>
    %slice3A = vector.extract_strided_slice %reshape3A {offsets = [0, 0], sizes = [2048, 64], strides = [1, 1]} : vector<2048x128xf32> to vector<2048x64xf32>
    %slice3A_21 = vector.extract_strided_slice %reshape3A {offsets = [0, 64], sizes = [2048, 64], strides = [1, 1]} : vector<2048x128xf32> to vector<2048x64xf32>
    %select_n3A_22 = arith.select %eq3A_20, %slice3A, %slice3A_21 : vector<2048x64xi1>, vector<2048x64xf32>
    %get3A_23 = arith.constant 0 : index
    %get3A_24 = arith.constant 0 : index
    %get3A_25 = vector.load %arg2[%get3A_23, %get3A_24] : memref<1024x128xf32, #tpu.memory_space<vmem>>, vector<1024x128xf32>
    %broadcast_in_dim3A_26 = vector.shape_cast %get3A_25 : vector<1024x128xf32> to vector<1024x1x128xf32>
    %broadcast_in_dim3A_27 = vector.shape_cast %broadcast_in_dim3A_26 : vector<1024x1x128xf32> to vector<1024x1x128xf32>
    %broadcast_in_dim3A_28 = vector.broadcast %broadcast_in_dim3A_27 : vector<1024x1x128xf32> to vector<1024x2x128xf32>
    %reshape3A_29 = vector.shape_cast %broadcast_in_dim3A_28 : vector<1024x2x128xf32> to vector<2048x128xf32>
    %iota3A_30 = tpu.iota {dimensions = array<i32: 0>} : vector<2048x64xi32>
    %jit3A_31 = arith.constant 2 : i32
    %eq3A_32 = arith.constant 0 : i32
    %eq3A_33 = arith.cmpi eq, %jit3A_31, %eq3A_32 : i32
    %jit3A_34 = arith.constant 1 : i32
    %select_n3A_35 = arith.select %eq3A_33, %jit3A_34, %jit3A_31 : i32
    %rem3A_36 = vector.broadcast %select_n3A_35 : i32 to vector<2048x64xi32>
    %rem3A_37 = arith.remsi %iota3A_30, %rem3A_36 : vector<2048x64xi32>
    %ne3A_38 = arith.constant 0 : i32
    %ne3A_39 = vector.broadcast %ne3A_38 : i32 to vector<2048x64xi32>
    %ne3A_40 = arith.cmpi ne, %rem3A_37, %ne3A_39 : vector<2048x64xi32>
    %lt3A_41 = arith.constant 0 : i32
    %lt3A_42 = vector.broadcast %lt3A_41 : i32 to vector<2048x64xi32>
    %lt3A_43 = arith.cmpi slt, %rem3A_37, %lt3A_42 : vector<2048x64xi32>
    %lt3A_44 = arith.constant 0 : i32
    %lt3A_45 = arith.cmpi slt, %select_n3A_35, %lt3A_44 : i32
    %ne3A_46 = vector.broadcast %lt3A_45 : i1 to vector<2048x64xi1>
    %ne3A_47 = vector.broadcast %ne3A_46 : vector<2048x64xi1> to vector<2048x64xi1>
    %ne3A_48 = arith.xori %lt3A_43, %ne3A_47 : vector<2048x64xi1>
    %and3A_49 = arith.andi %ne3A_48, %ne3A_40 : vector<2048x64xi1>
    %add3A_50 = vector.broadcast %select_n3A_35 : i32 to vector<2048x64xi32>
    %add3A_51 = arith.addi %rem3A_37, %add3A_50 : vector<2048x64xi32>
    %select_n3A_52 = arith.select %and3A_49, %add3A_51, %rem3A_37 : vector<2048x64xi1>, vector<2048x64xi32>
    %eq3A_53 = arith.constant 0 : i32
    %eq3A_54 = vector.broadcast %eq3A_53 : i32 to vector<2048x64xi32>
    %eq3A_55 = arith.cmpi eq, %select_n3A_52, %eq3A_54 : vector<2048x64xi32>
    %slice3A_56 = vector.extract_strided_slice %reshape3A_29 {offsets = [0, 0], sizes = [2048, 64], strides = [1, 1]} : vector<2048x128xf32> to vector<2048x64xf32>
    %slice3A_57 = vector.extract_strided_slice %reshape3A_29 {offsets = [0, 64], sizes = [2048, 64], strides = [1, 1]} : vector<2048x128xf32> to vector<2048x64xf32>
    %select_n3A_58 = arith.select %eq3A_55, %slice3A_56, %slice3A_57 : vector<2048x64xi1>, vector<2048x64xf32>
    %get3A_59 = arith.constant 0 : index
    %get3A_60 = arith.constant 0 : index
    %get3A_61 = vector.load %arg3[%get3A_59, %get3A_60] : memref<1024x128xf32, #tpu.memory_space<vmem>>, vector<1024x128xf32>
    %broadcast_in_dim3A_62 = vector.shape_cast %get3A_61 : vector<1024x128xf32> to vector<1024x1x128xf32>
    %broadcast_in_dim3A_63 = vector.shape_cast %broadcast_in_dim3A_62 : vector<1024x1x128xf32> to vector<1024x1x128xf32>
    %broadcast_in_dim3A_64 = vector.broadcast %broadcast_in_dim3A_63 : vector<1024x1x128xf32> to vector<1024x2x128xf32>
    %reshape3A_65 = vector.shape_cast %broadcast_in_dim3A_64 : vector<1024x2x128xf32> to vector<2048x128xf32>
    %iota3A_66 = tpu.iota {dimensions = array<i32: 0>} : vector<2048x64xi32>
    %jit3A_67 = arith.constant 2 : i32
    %eq3A_68 = arith.constant 0 : i32
    %eq3A_69 = arith.cmpi eq, %jit3A_67, %eq3A_68 : i32
    %jit3A_70 = arith.constant 1 : i32
    %select_n3A_71 = arith.select %eq3A_69, %jit3A_70, %jit3A_67 : i32
    %rem3A_72 = vector.broadcast %select_n3A_71 : i32 to vector<2048x64xi32>
    %rem3A_73 = arith.remsi %iota3A_66, %rem3A_72 : vector<2048x64xi32>
    %ne3A_74 = arith.constant 0 : i32
    %ne3A_75 = vector.broadcast %ne3A_74 : i32 to vector<2048x64xi32>
    %ne3A_76 = arith.cmpi ne, %rem3A_73, %ne3A_75 : vector<2048x64xi32>
    %lt3A_77 = arith.constant 0 : i32
    %lt3A_78 = vector.broadcast %lt3A_77 : i32 to vector<2048x64xi32>
    %lt3A_79 = arith.cmpi slt, %rem3A_73, %lt3A_78 : vector<2048x64xi32>
    %lt3A_80 = arith.constant 0 : i32
    %lt3A_81 = arith.cmpi slt, %select_n3A_71, %lt3A_80 : i32
    %ne3A_82 = vector.broadcast %lt3A_81 : i1 to vector<2048x64xi1>
    %ne3A_83 = vector.broadcast %ne3A_82 : vector<2048x64xi1> to vector<2048x64xi1>
    %ne3A_84 = arith.xori %lt3A_79, %ne3A_83 : vector<2048x64xi1>
    %and3A_85 = arith.andi %ne3A_84, %ne3A_76 : vector<2048x64xi1>
    %add3A_86 = vector.broadcast %select_n3A_71 : i32 to vector<2048x64xi32>
    %add3A_87 = arith.addi %rem3A_73, %add3A_86 : vector<2048x64xi32>
    %select_n3A_88 = arith.select %and3A_85, %add3A_87, %rem3A_73 : vector<2048x64xi1>, vector<2048x64xi32>
    %eq3A_89 = arith.constant 0 : i32
    %eq3A_90 = vector.broadcast %eq3A_89 : i32 to vector<2048x64xi32>
    %eq3A_91 = arith.cmpi eq, %select_n3A_88, %eq3A_90 : vector<2048x64xi32>
    %slice3A_92 = vector.extract_strided_slice %reshape3A_65 {offsets = [0, 0], sizes = [2048, 64], strides = [1, 1]} : vector<2048x128xf32> to vector<2048x64xf32>
    %slice3A_93 = vector.extract_strided_slice %reshape3A_65 {offsets = [0, 64], sizes = [2048, 64], strides = [1, 1]} : vector<2048x128xf32> to vector<2048x64xf32>
    %select_n3A_94 = arith.select %eq3A_91, %slice3A_92, %slice3A_93 : vector<2048x64xi1>, vector<2048x64xf32>
    %get3A_95 = arith.constant 0 : index
    %get3A_96 = arith.constant 0 : index
    %get3A_97 = vector.load %arg4[%get3A_95, %get3A_96] : memref<1024x128xf32, #tpu.memory_space<vmem>>, vector<1024x128xf32>
    %broadcast_in_dim3A_98 = vector.shape_cast %get3A_97 : vector<1024x128xf32> to vector<1024x1x128xf32>
    %broadcast_in_dim3A_99 = vector.shape_cast %broadcast_in_dim3A_98 : vector<1024x1x128xf32> to vector<1024x1x128xf32>
    %broadcast_in_dim3A_100 = vector.broadcast %broadcast_in_dim3A_99 : vector<1024x1x128xf32> to vector<1024x2x128xf32>
    %reshape3A_101 = vector.shape_cast %broadcast_in_dim3A_100 : vector<1024x2x128xf32> to vector<2048x128xf32>
    %iota3A_102 = tpu.iota {dimensions = array<i32: 0>} : vector<2048x64xi32>
    %jit3A_103 = arith.constant 2 : i32
    %eq3A_104 = arith.constant 0 : i32
    %eq3A_105 = arith.cmpi eq, %jit3A_103, %eq3A_104 : i32
    %jit3A_106 = arith.constant 1 : i32
    %select_n3A_107 = arith.select %eq3A_105, %jit3A_106, %jit3A_103 : i32
    %rem3A_108 = vector.broadcast %select_n3A_107 : i32 to vector<2048x64xi32>
    %rem3A_109 = arith.remsi %iota3A_102, %rem3A_108 : vector<2048x64xi32>
    %ne3A_110 = arith.constant 0 : i32
    %ne3A_111 = vector.broadcast %ne3A_110 : i32 to vector<2048x64xi32>
    %ne3A_112 = arith.cmpi ne, %rem3A_109, %ne3A_111 : vector<2048x64xi32>
    %lt3A_113 = arith.constant 0 : i32
    %lt3A_114 = vector.broadcast %lt3A_113 : i32 to vector<2048x64xi32>
    %lt3A_115 = arith.cmpi slt, %rem3A_109, %lt3A_114 : vector<2048x64xi32>
    %lt3A_116 = arith.constant 0 : i32
    %lt3A_117 = arith.cmpi slt, %select_n3A_107, %lt3A_116 : i32
    %ne3A_118 = vector.broadcast %lt3A_117 : i1 to vector<2048x64xi1>
    %ne3A_119 = vector.broadcast %ne3A_118 : vector<2048x64xi1> to vector<2048x64xi1>
    %ne3A_120 = arith.xori %lt3A_115, %ne3A_119 : vector<2048x64xi1>
    %and3A_121 = arith.andi %ne3A_120, %ne3A_112 : vector<2048x64xi1>
    %add3A_122 = vector.broadcast %select_n3A_107 : i32 to vector<2048x64xi32>
    %add3A_123 = arith.addi %rem3A_109, %add3A_122 : vector<2048x64xi32>
    %select_n3A_124 = arith.select %and3A_121, %add3A_123, %rem3A_109 : vector<2048x64xi1>, vector<2048x64xi32>
    %eq3A_125 = arith.constant 0 : i32
    %eq3A_126 = vector.broadcast %eq3A_125 : i32 to vector<2048x64xi32>
    %eq3A_127 = arith.cmpi eq, %select_n3A_124, %eq3A_126 : vector<2048x64xi32>
    %slice3A_128 = vector.extract_strided_slice %reshape3A_101 {offsets = [0, 0], sizes = [2048, 64], strides = [1, 1]} : vector<2048x128xf32> to vector<2048x64xf32>
    %slice3A_129 = vector.extract_strided_slice %reshape3A_101 {offsets = [0, 64], sizes = [2048, 64], strides = [1, 1]} : vector<2048x128xf32> to vector<2048x64xf32>
    %select_n3A_130 = arith.select %eq3A_127, %slice3A_128, %slice3A_129 : vector<2048x64xi1>, vector<2048x64xf32>
    %concatenate3A = tpu.concatenate %select_n3A_22, %select_n3A_58, %select_n3A_94, %select_n3A_130 in 1 : vector<2048x64xf32>, vector<2048x64xf32>, vector<2048x64xf32>, vector<2048x64xf32> -> vector<2048x256xf32>
    %get3A_131 = arith.constant 0 : index
    %get3A_132 = arith.constant 0 : index
    %get3A_133 = vector.load %arg5[%get3A_131, %get3A_132] : memref<256x512xf32, #tpu.memory_space<vmem>>, vector<256x512xf32>
    %dot_general3A = arith.constant dense<0.000000e+00> : vector<2048x512xf32>
    %dot_general3A_134 = tpu.matmul %concatenate3A, %get3A_133, %dot_general3A {dimension_numbers = #tpu.dot_dimension_numbers<[1], [0], [0], [1], [0, 0, 1, 1], [], []>, transpose_lhs_hint = false} : vector<2048x256xf32>, vector<256x512xf32>, vector<2048x512xf32> -> vector<2048x512xf32>
    %get3A_135 = arith.constant 0 : index
    %get3A_136 = arith.constant 0 : index
    %get3A_137 = vector.load %arg6[%get3A_135, %get3A_136] : memref<1x512xf32, #tpu.memory_space<vmem>>, vector<1x512xf32>
    %add3A_138 = vector.broadcast %get3A_137 : vector<1x512xf32> to vector<2048x512xf32>
    %add3A_139 = arith.addf %dot_general3A_134, %add3A_138 : vector<2048x512xf32>
    %max3A = arith.constant 0.000000e+00 : f32
    %max3A_140 = vector.broadcast %max3A : f32 to vector<2048x512xf32>
    %max3A_141 = arith.maximumf %add3A_139, %max3A_140 : vector<2048x512xf32>
    %get3A_142 = arith.constant 0 : index
    %get3A_143 = arith.constant 0 : index
    %get3A_144 = vector.load %arg7[%get3A_142, %get3A_143] : memref<512x256xf32, #tpu.memory_space<vmem>>, vector<512x256xf32>
    %dot_general3A_145 = arith.constant dense<0.000000e+00> : vector<2048x256xf32>
    %dot_general3A_146 = tpu.matmul %max3A_141, %get3A_144, %dot_general3A_145 {dimension_numbers = #tpu.dot_dimension_numbers<[1], [0], [0], [1], [0, 0, 1, 1], [], []>, transpose_lhs_hint = false} : vector<2048x512xf32>, vector<512x256xf32>, vector<2048x256xf32> -> vector<2048x256xf32>
    %get3A_147 = arith.constant 0 : index
    %get3A_148 = arith.constant 0 : index
    %get3A_149 = vector.load %arg8[%get3A_147, %get3A_148] : memref<1x256xf32, #tpu.memory_space<vmem>>, vector<1x256xf32>
    %add3A_150 = vector.broadcast %get3A_149 : vector<1x256xf32> to vector<2048x256xf32>
    %add3A_151 = arith.addf %dot_general3A_146, %add3A_150 : vector<2048x256xf32>
    %swap3A = arith.constant 0 : index
    %swap3A_152 = arith.constant 0 : index
    %swap3A_153 = vector.load %arg9[%swap3A, %swap3A_152] : memref<2048x256xf32, #tpu.memory_space<vmem>>, vector<2048x256xf32>
    tpu.vector_store %arg9[%swap3A, %swap3A_152], %add3A_151 {strides = array<i32>} : memref<2048x256xf32, #tpu.memory_space<vmem>>, vector<2048x256xf32>,
    return
  }
  func.func @transform_0(%arg0: i32) -> (i32, i32) {
    %add3A = arith.constant 0 : i32
    %add3A_0 = arith.addi %add3A, %arg0 : i32
    %c0_i32 = arith.constant 0 : i32
    %c0_i32_1 = arith.constant 0 : i32
    return %add3A_0, %c0_i32 : i32, i32
  }
  func.func @transform_1(%arg0: i32) -> (i32, i32) {
    %add3A = arith.constant 4 : i32
    %add3A_0 = arith.addi %add3A, %arg0 : i32
    %c0_i32 = arith.constant 0 : i32
    %c0_i32_1 = arith.constant 0 : i32
    return %add3A_0, %c0_i32 : i32, i32
  }
  func.func @transform_2(%arg0: i32) -> (i32, i32) {
    %add3A = arith.constant 8 : i32
    %add3A_0 = arith.addi %add3A, %arg0 : i32
    %c0_i32 = arith.constant 0 : i32
    %c0_i32_1 = arith.constant 0 : i32
    return %add3A_0, %c0_i32 : i32, i32
  }
  func.func @transform_3(%arg0: i32) -> (i32, i32) {
    %add3A = arith.constant 12 : i32
    %add3A_0 = arith.addi %add3A, %arg0 : i32
    %c0_i32 = arith.constant 0 : i32
    %c0_i32_1 = arith.constant 0 : i32
    return %add3A_0, %c0_i32 : i32, i32
  }
  func.func @transform_4(%arg0: i32) -> (i32, i32) {
    %c0_i32 = arith.constant 0 : i32
    %c0_i32_0 = arith.constant 0 : i32
    %c0_i32_1 = arith.constant 0 : i32
    return %c0_i32, %c0_i32_0 : i32, i32
  }
  func.func @transform_5(%arg0: i32) -> (i32, i32) {
    %c0_i32 = arith.constant 0 : i32
    %c0_i32_0 = arith.constant 0 : i32
    %c0_i32_1 = arith.constant 0 : i32
    return %c0_i32, %c0_i32_0 : i32, i32
  }
  func.func @transform_6(%arg0: i32) -> (i32, i32) {
    %c0_i32 = arith.constant 0 : i32
    %c0_i32_0 = arith.constant 0 : i32
    %c0_i32_1 = arith.constant 0 : i32
    return %c0_i32, %c0_i32_0 : i32, i32
  }
  func.func @transform_7(%arg0: i32) -> (i32, i32) {
    %c0_i32 = arith.constant 0 : i32
    %c0_i32_0 = arith.constant 0 : i32
    %c0_i32_1 = arith.constant 0 : i32
    return %c0_i32, %c0_i32_0 : i32, i32
  }
  func.func @transform_8(%arg0: i32) -> (i32, i32) {
    %add3A = arith.constant 0 : i32
    %add3A_0 = arith.addi %add3A, %arg0 : i32
    %c0_i32 = arith.constant 0 : i32
    %c0_i32_1 = arith.constant 0 : i32
    return %add3A_0, %c0_i32 : i32, i32
  }
}

</mosaic_0001>

<sc_bundles>
// kernel: kernel.6.cloned.1.call-start
scs
__scs_entry_jumppad:
0x0: {  	(pc) =	sbr.rel $0x88, $3  }
0x1: {  	(tag) =	ssettag $0x0;
	lr =	simm.s32 $0x1  }
0x2: {  	[smem:$0x3F98] =	sst lr;
	_ =	strace $0xD0000000  }
0x3: {  	_ = 	snop  }
0x4: {  	_ = 	snop  }
0x5: {  	_ = 	snop  }
0x6: {  	_ = 	snop  }
0x7: {  	_ = 	snop  }
__scs_overlays_trampoline_lowered:
0x8: {  	[smem:$0x3FA7] =	sst s0  }
0x9: {  	[smem:$0x3FA8] =	sst s1  }
0xa: {  	[smem:$0x3FA9] =	sst s2  }
0xb: {  	[smem:$0x3FAA] =	sst s3  }
0xc: {  	[smem:$0x3FAB] =	sst s4  }
0xd: {  	[smem:$0x3FAC] =	sst s5  }
0xe: {  	[smem:$0x3FAD] =	sst s6  }
0xf: {  	[smem:$0x3FAE] =	sst s7  }
0x10: {  	[smem:$0x3FAF] =	sst s8  }
0x11: {  	[smem:$0x3FB0] =	sst s9;
	s0 =	simm.s32 @!p0 $0x0  }
0x12: {  	s1 =	sld [smem:$0x3F96];
	s0 =	simm.s32 @p0 $0x1  }
0x13: {  	[smem:$0x3FB1] =	sst s0;
	s0 =	simm.s32 @!p1 $0x0  }
0x14: {  	s2 =	sld [smem:$0x3F95];
	s0 =	simm.s32 @p1 $0x1  }
0x15: {  	[smem:$0x3FB2] =	sst s0;
	s0 =	simm.s32 @!p2 $0x0  }
0x16: {  	s3 =	sld [smem:$0x3FDB];
	s0 =	simm.s32 @p2 $0x1  }
0x17: {  	s4 =	simm.s32 $0x1BF5;
	[smem:$0x3FB4] =	sst s0  }
0x18: {  	s0 =	sld [smem:$0x3F97];
	_ =	swait.ge [sflag:s4], $0x0  }
0x19: {  	s7 =	sld [smem:$0x3F98]  }
0x1a: {  	s8 =	sadd.s32 $0xFFFFE003, lr  }
0x1b: {  	s9 =	sadd.s32 $0xFFFFFEF7, lr;
	s5 =	simm.s32 $0xFFFFFFFF;
	p2 =	slt.u32 s8, $0xFFFFF086  }
0x1c: {  	p1 =	slt.u32 s9, $0xF7A;
	s5 =	simm.s32 @!p2 $0x0  }
0x1d: {  	s5 =	simm.s32 @p1 $0x1;
	p0 =	seq.s32 s7, s2  }
0x1e: {  	s7 =	smul.u32 @!p0 $0xF7A, s2;
	p2 =	seq.s32 @!p0 s5, $0x0  }
0x1f: {  	s9 =	smul.u32 $0xF7A, s1;
	s8 =	simm.s32 @!p0 $0x1BF5;
	p2 =	por !p2, p0  }
0x20: {  	[sflag:s8] =	ssyncset.s32 @!p0 $0xFFFFF086;
	s6 =	sadd.s32 @!p0 s3, s7;
	s7 =	simm.s32 @!p0 $0x108  }
0x21: {  	s3 =	sadd.s32 s3, s9;
	s6 =	sadd.s32 @!p0 $0x88, s6;
	s7 =	simm.s32 @p2 $0x1082  }
0x22: {  	[simem:s7], [sflag:s8] =	dma.local @!p0 [hbm:s6], $0xF7A  }
0x23: {  	s9 =	sor.u32 $0xD0000000, s2;
	s6 =	simm.s32 $0x108;
	_ =	swait.ge @!p0 [sflag:s8], $0x0  }
0x24: {  	s3 =	sadd.s32 $0x88, s3;
	s6 =	simm.s32 @!p1 $0x1082;
	[sflag:s4] =	ssyncset.s32 $0xFFFFF086  }
0x25: {  	[simem:s6], [sflag:s4] =	dma.local [hbm:s3], $0xF7A  }
0x26: {  	[smem:$0x3F98] =	sst s1;
	(tag) =	ssettag s2;
	_ =	strace s9  }
0x27: {  	s1 =	sld [smem:$0x3FA8]  }
0x28: {  	s2 =	sld [smem:$0x3FA9]  }
0x29: {  	s4 =	sld [smem:$0x3FAB]  }
0x2a: {  	p0 =	seq.s32 s5, $0x0;
	s5 =	sld [smem:$0x3FAC]  }
0x2b: {  	s6 =	sld [smem:$0x3FAD]  }
0x2c: {  	s7 =	sld [smem:$0x3FAE]  }
0x2d: {  	s3 =	simm.s32 $0x108;
	s8 =	sld [smem:$0x3FAF]  }
0x2e: {  	s3 =	simm.s32 @!p0 $0x1082;
	s9 =	sld [smem:$0x3FB0]  }
0x2f: {  	lr =	sadd.s32 s0, s3;
	s0 =	sld [smem:$0x3FA7]  }
0x30: {  	s3 =	sld [smem:$0x3FAA]  }
0x31: {  	[smem:$0x3FB3] =	sst s10  }
0x32: {  	s10 =	sld [smem:$0x3FB1];
	_ =	sdelay $0x3  }
0x33: {  	p0 =	seq.s32 s10, $0x1;
	s10 =	sld [smem:$0x3FB3];
	_ =	sdelay $0x3  }
0x34: {  	[smem:$0x3FB3] =	sst s10  }
0x35: {  	s10 =	sld [smem:$0x3FB2];
	_ =	sdelay $0x3  }
0x36: {  	p1 =	seq.s32 s10, $0x1;
	s10 =	sld [smem:$0x3FB3];
	_ =	sdelay $0x3  }
0x37: {  	[smem:$0x3FB3] =	sst s10  }
0x38: {  	s10 =	sld [smem:$0x3FB4]  }
0x39: {  	_ = 	snop;
	(pc) =	sbr.ind lr, $3  }
0x3a: {  	_ = 	snop  }
0x3b: {  	_ = 	snop  }
0x3c: {  	p2 =	seq.s32 s10, $0x1;
	s10 =	sld [smem:$0x3FB3]  }
0x3d: {  	_ =	shalt  }
0x3e: {  	_ =	shalt  }
0x3f: {  	_ =	shalt  }
0x40: {  	_ =	shalt  }
0x41: {  	_ =	shalt  }
0x42: {  	_ =	shalt  }
0x43: {  	_ =	shalt  }
0x44: {  	_ =	shalt  }
0x45: {  	_ =	shalt  }
0x46: {  	_ =	shalt  }
0x47: {  	_ =	shalt  }
0x48: {  	_ =	shalt  }
0x49: {  	_ =	shalt  }
0x4a: {  	_ =	shalt  }
0x4b: {  	_ =	shalt  }
0x4c: {  	_ =	shalt  }
0x4d: {  	_ =	shalt  }
0x4e: {  	_ =	shalt  }
0x4f: {  	_ =	shalt  }
0x50: {  	_ =	shalt  }
0x51: {  	_ =	shalt  }
0x52: {  	_ =	shalt  }
0x53: {  	_ =	shalt  }
0x54: {  	_ =	shalt  }
0x55: {  	_ =	shalt  }
0x56: {  	_ =	shalt  }
0x57: {  	_ =	shalt  }
0x58: {  	_ =	shalt  }
0x59: {  	_ =	shalt  }
0x5a: {  	_ =	shalt  }
0x5b: {  	_ =	shalt  }
0x5c: {  	_ =	shalt  }
0x5d: {  	_ =	shalt  }
0x5e: {  	_ =	shalt  }
0x5f: {  	_ =	shalt  }
0x60: {  	_ =	shalt  }
0x61: {  	_ =	shalt  }
0x62: {  	_ =	shalt  }
0x63: {  	_ =	shalt  }
0x64: {  	_ =	shalt  }
0x65: {  	_ =	shalt  }
0x66: {  	_ =	shalt  }
0x67: {  	_ =	shalt  }
0x68: {  	_ =	shalt  }
0x69: {  	_ =	shalt  }
0x6a: {  	_ =	shalt  }
0x6b: {  	_ =	shalt  }
0x6c: {  	_ =	shalt  }
0x6d: {  	_ =	shalt  }
0x6e: {  	_ =	shalt  }
0x6f: {  	_ =	shalt  }
0x70: {  	_ =	shalt  }
0x71: {  	_ =	shalt  }
0x72: {  	_ =	shalt  }
0x73: {  	_ =	shalt  }
0x74: {  	_ =	shalt  }
0x75: {  	_ =	shalt  }
0x76: {  	_ =	shalt  }
0x77: {  	_ =	shalt  }
0x78: {  	_ =	shalt  }
0x79: {  	_ =	shalt  }
0x7a: {  	_ =	shalt  }
0x7b: {  	_ =	shalt  }
0x7c: {  	_ =	shalt  }
0x7d: {  	_ =	shalt  }
0x7e: {  	_ =	shalt  }
0x7f: {  	_ =	shalt  }
0x80: {  	_ =	shalt  }
0x81: {  	_ =	shalt  }
0x82: {  	_ =	shalt  }
0x83: {  	_ =	shalt  }
0x84: {  	_ =	shalt  }
0x85: {  	_ =	shalt  }
0x86: {  	_ =	shalt  }
0x87: {  	_ =	shalt  }
.Lfunc_end0:
.L_simem_size_0:
called_computation_lowered:
.L_overlay_start_0:
0x88: {  	s2 =	sld [smem:$0x3FD9]  }
0x89: {  	s3 =	sld [smem:$0x3FFE];
	_ =	sdelay $0x1  }
0x8a: {  	s1 =	srdreg.scid  }
0x8b: {  	s0 =	sand.u32 $0x1, s1  }
0x8c: {  	s17 =	sshll.u32 s0, $0xA;
	s2 =	sadd.s32 s3, s2  }
0x8d: {  	s2 =	sadd.s32 s2, s17  }
0x8e: {  	[smem:$0x3FBF] =	sst s2  }
0x8f: {  	_ = 	snop  }
0x90: {  	s2 =	sld [smem:$0x3FD0];
	(tm) =	ssettm $0x1  }
0x91: {  	s18 =	sld [smem:$0x3FFB];
	_ =	sdelay $0x3  }
0x92: {  	_ =	strace s18  }
0x93: {  	s3 =	sld [smem:$0x3FFC];
	_ =	sdelay $0x3  }
0x94: {  	_ =	strace s3  }
0x95: {  	s3 =	sld [smem:$0x3FFD];
	_ =	sdelay $0x3  }
0x96: {  	_ =	strace s3  }
0x97: {  	_ =	strace $0x8FFFFFFF  }
0x98: {  	s19 =	sld [smem:$0x3FDB];
	_ =	sdelay $0x1  }
0x99: {  	s4 =	simm.s32 $_scs_section_size  }
0x9a: {  	s5 =	simm.s32 $_size__tile_overlayer_lowered;
	s6 =	simm.s32 $_tile_overlayer_lowered  }
0x9b: {  	s22 =	simm.s32 $0x1BFF;
	s21 =	sshll.u32 s6, $0x1;
	s3 =	sadd.s32 s4, s19  }
0x9c: {  	s7 =	simm.s32 $0x0;
	s20 =	sshll.u32 s5, $0x1;
	s5 =	sadd.s32 s21, s3  }
0x9d: {  	[timem:s7], [sflag:s22] =	dma.local [hbm:s5], s20  }
0x9e: {  	_ =	swait.ge [sflag:s22], s20  }
0x9f: {  	s4 =	ssub.s32 $0x0, s20;
	[sflag:s22] =	ssyncset.done $0x0  }
0xa0: {  	[sflag:s22] =	ssyncadd.s32 s4;
	_ =	sdelay $0x1  }
0xa1: {  	s23 =	simm.s32 $0x1B8B  }
0xa2: {  	_ =	swait.ge [sflag:s23], $0x1  }
0xa3: {  	[sflag:s23] =	ssyncset.done $0x0  }
0xa4: {  	s25 =	simm.s32 $0x1B8E;
	s24 =	sld [smem:$0x3FFE];
	[sflag:s23] =	ssyncadd.s32 $0xFFFFFFFF  }
0xa5: {  	s26 =	simm.s32 $execute0_lowered;
	[smem:$0x3FD2] =	sst s25  }
0xa6: {  	s5 =	sshll.u32 s26, $0x1;
	_ =	strace $0x80000046;
	[dreg:$0x1] =	wrdreg $0xFFFFFFFF  }
0xa7: {  	s28 =	simm.s32 $_size_execute0_lowered;
	s3 =	sadd.s32 s3, s5;
	[dreg:$0x0] =	wrdreg $0x0  }
0xa8: {  	s5 =	sshll.u32 s28, $0x1;
	[dreg:$0x2] =	wrdreg s3  }
0xa9: {  	[dreg:$0x3] =	wrdreg s5  }
0xaa: {  	[dreg:$0x4] =	wrdreg $0xC0  }
0xab: {  	_ =	task [dreg:s7], $0x5FFFF  }
0xac: {  	[dreg:$0x1] =	wrdreg $0xFFFFFFFF  }
0xad: {  	[dreg:$0x0] =	wrdreg $0x60  }
0xae: {  	[dreg:$0x2] =	wrdreg s24  }
0xaf: {  	[dreg:$0x3] =	wrdreg s2  }
0xb0: {  	[dreg:$0x4] =	wrdreg $0x9  }
0xb1: {  	_ =	task.clear_ibuf [dreg:s7], $0x5FFFF;
	_ =	strace $0x90000046  }
0xb2: {  	s29 =	simm.s32 $0x9;
	_ =	strace $0x80000048  }
0xb3: {  	_ =	swait.ge [sflag:s29], $0x1  }
0xb4: {  	[sflag:s29] =	ssyncadd.s32 $0xFFFFFFFF  }
0xb5: {  	_ =	strace $0x90000048  }
0xb6: {  	_ =	sfence  }
0xb7: {  	s30 =	sld [smem:$0x0];
	_ =	sdelay $0x2  }
0xb8: {  	s31 =	sshll.u32 s1, $0xD;
	s1 =	sshrl.u32 s1, $0x2  }
0xb9: {  	s3 =	sand.u32 $0x4000, s31;
	s1 =	sadd.s32 s1, s30  }
0xba: {  	s0 =	sor.u32 s3, s0;
	s1 =	sshll.u32 s1, $0x11  }
0xbb: {  	s0 =	sor.u32 s1, s0  }
0xbc: {  	s0 =	sadd.s32 $0x8F2B, s0  }
0xbd: {  	[sflag:s0] =	ssyncadd.remote.s32 $0x1  }
0xbe: {  	_ =	sfence.sel $0xFFFF  }
0xbf: {  	[dreg:$0x0] =	wrdreg $0xFFFFFFFF;
	(pc) =	sbr.abs _section_cstart, $3  }
0xc0: {  	[dreg:$0x1] =	wrdreg $0xFFFFFFFF  }
0xc1: {  	_ =	task.clear_ibuf [dreg:s7], $0x2FFFF;
	_ =	strace $0x9FFFFFFF  }
0xc2: {  	(tm) =	ssettm $0x7FFFFFFF  }
0xc3: {  	_ =	shalt  }
tec
execute0_lowered:
.L_overlay_start_1:
0x0: {  	(tag) =	ssettag $0x1  }
0x1: {  	s7 =	rddreg [dreg:$0x0]  }
0x2: {  	s9 =	rddreg [dreg:$0x1]  }
0x3: {  	s0 =	rddreg [dreg:$0x2];
	s1 =	stileid.u32  }
0x4: {  	s2 =	simm.s32 $0x0;
	s3 =	srdreg.scid;
	s4 =	sshll.u32 s1, $0x1  }
0x5: {  	[smem:$0x7FF] =	sst s2;
	s3 =	sand.u32 $0x1, s3;
	s10 =	sadd.s32 $0x1A00, s7  }
0x6: {  	s12 =	sshrl.u32 s1, $0x2;
	s14 =	sadd.s32 $0x87C0, s7;
	s17 =	sadd.s32 $0x6880, s7  }
0x7: {  	s18 =	sadd.s32 $0x4940, s7;
	s4 =	sand.u32 $0x6, s4;
	_ =	strace $0x80000047  }
0x8: {  	s5 =	ssub.s32 $0x2, s3;
	p4 =	sgt.s32 s12, $0x1;
	s8 =	sor.u32 s3, s4  }
0x9: {  	s3 =	sadd.s32 $0x2A00, s7;
	s26 =	sshrl.u32 s5, $0x1;
	p2 =	seq.s32 @p4 s12, $0x2  }
0xa: {  	p3 =	seq.s32 @!p4 s12, $0x0;
	s12 =	simm.s32 $0x2;
	s6 =	sshll.u32 s8, $0xA  }
0xb: {  	s11 =	ssub.s32 s5, s26;
	s31 =	sshll.u32 s8, $0x7;
	p0 =	por !p2, !p4  }
0xc: {  	p1 =	por !p3, p4;
	p2 =	por p2, !p4;
	p3 =	por p3, p4  }
0xd: {  	s28 =	sor.u32 $0x6000, s6;
	s13 =	sor.u32 $0x4000, s6;
	s30 =	sor.u32 $0x2000, s6  }
0xe: {  	s7 =	sadd.s32 s10, s31;
	s17 =	smov.u32 @p0 s14;
	s29 =	sshrl.u32 s28, $0x3  }
0xf: {  	s15 =	sshrl.u32 s13, $0x3;
	s16 =	sshll.u32 s28, $0x3;
	s13 =	sshll.u32 s13, $0x3  }
0x10: {  	s6 =	sshrl.u32 s30, $0x3;
	s4 =	sadd.s32 s10, s29;
	s5 =	sadd.s32 s10, s15  }
0x11: {  	s6 =	sadd.s32 s10, s6;
	s15 =	sshll.u32 s30, $0x3;
	s10 =	sshll.u32 s8, $0xD  }
0x12: {  	s3 =	smov.u32 @p1 s18;
	s13 =	smov.u32 @p0 s16;
	s10 =	smov.u32 @p1 s15  }
0x13: {  	s3 =	smov.u32 @p4 s17;
	s8 =	smax.u32 s11, $0x1;
	s10 =	smov.u32 @p4 s13  }
0x14: {  	s11 =	simm.s32 $0x1;
	s9 =	sadd.s32 s9, s10;
	s10 =	simm.s32 $0x400  }
.LBB2_1:
0x15: {  	s13 =	simm.s32 @!p0 $0x0  }
0x16: {  	[tilespmem:s13], [sflag:$0x2] =	stream.linear.gather @!p0 [hbm4b:s5+s13], $0x400, $0x38;
	[tilespmem:$0x10400] =	vst v63  }
0x17: {  	s13 =	simm.s32 @!p0 $0x2  }
0x18: {  	_ =	swait.ge @!p0 [sflag:s13], $0x400  }
0x19: {  	[sflag:s13] =	ssyncset.done @!p0 $0x0  }
0x1a: {  	[sflag:s13] =	ssyncadd.s32 @!p0 $0xFFFFFC00;
	s13 =	simm.s32 @!p2 $0x0  }
0x1b: {  	[tilespmem:s13], [sflag:$0x2] =	stream.linear.gather @!p2 [hbm4b:s4+s13], $0x400, $0x38;
	[tilespmem:$0x10400] =	vst v63  }
0x1c: {  	s13 =	simm.s32 @!p2 $0x2  }
0x1d: {  	_ =	swait.ge @!p2 [sflag:s13], $0x400  }
0x1e: {  	[sflag:s13] =	ssyncset.done @!p2 $0x0  }
0x1f: {  	[sflag:s13] =	ssyncadd.s32 @!p2 $0xFFFFFC00;
	s13 =	simm.s32 @!p1 $0x0  }
0x20: {  	[tilespmem:s13], [sflag:$0x2] =	stream.linear.gather @!p1 [hbm4b:s7+s13], $0x400, $0x38;
	[tilespmem:$0x10400] =	vst v63  }
0x21: {  	s13 =	simm.s32 @!p1 $0x2  }
0x22: {  	_ =	swait.ge @!p1 [sflag:s13], $0x400  }
0x23: {  	[sflag:s13] =	ssyncset.done @!p1 $0x0  }
0x24: {  	[sflag:s13] =	ssyncadd.s32 @!p1 $0xFFFFFC00;
	s13 =	simm.s32 @!p3 $0x0  }
0x25: {  	[tilespmem:s13], [sflag:$0x2] =	stream.linear.gather @!p3 [hbm4b:s6+s13], $0x400, $0x38;
	[tilespmem:$0x10400] =	vst v63  }
0x26: {  	s13 =	simm.s32 @!p3 $0x2  }
0x27: {  	_ =	swait.ge @!p3 [sflag:s13], $0x400  }
0x28: {  	[sflag:s13] =	ssyncset.done @!p3 $0x0  }
0x29: {  	[sflag:s13] =	ssyncadd.s32 @!p3 $0xFFFFFC00  }
0x2a: {  	[tilespmem:s10], [sflag:$0x1] =	stream.indirect.gather [hbm4b:s3+s10], $0x40, s2, s10, $0xb8;
	[tilespmem:$0x10400] =	vst v63  }
0x2b: {  	s8 =	sadd.s32 $0xFFFFFFFF, s8;
	_ =	swait.ge [sflag:s11], $0x10000  }
0x2c: {  	p4 =	sne.s32 s8, $0x0;
	[sflag:s11] =	ssyncset.done $0x0  }
.Ltmp0:
0x2d: {  	[sflag:s11] =	ssyncadd.s32 $0xFFFF0000;
	(pc) =	sbr.rel @p4 .LBB2_1-.Ltmp0, $4  }
0x2e: {  	[hbm4b:s9+s2] =	stream.linear.scatter [tilespmem:s10], [sflag:$0x2], $0x10000, $0x38;
	[tilespmem:$0x10400] =	vst v63  }
0x2f: {  	_ =	swait.ge [sflag:s12], $0x10000  }
0x30: {  	[sflag:s12] =	ssyncset.done $0x0  }
0x31: {  	[sflag:s12] =	ssyncadd.s32 $0xFFFF0000  }
0x32: {  	_ =	sfence.sel $0x180000  }
0x33: {  	[bflag:$0x0] =	sbarrier.arrive $0xFFFF  }
0x34: {  	p0 =	sne.s32 s1, $0x0;
	_ =	strace $0x90000047  }
0x35: {  	s0 =	sadd.s32 @!p0 $0x100000, s0;
	[bflag:$0x2] =	sbarrier.arrive $0xFFFF  }
0x36: {  	[sflag:s0] =	ssyncadd.tile.s32 @!p0 $0x1;
	_ =	shalt  }
.Lfunc_end2:
_tile_overlayer_lowered:
.L_overlay_start_2:
0x37: {  	(tag) =	ssettag $0x2  }
0x38: {  	s0 =	rddreg [dreg:$0x0];
	s2 =	stileid.u32  }
0x39: {  	s1 =	rddreg [dreg:$0x1];
	p0 =	sne.s32 s2, $0x0  }
0x3a: {  	s3 =	rddreg [dreg:$0x2];
	[bflag:$0x3] =	sbarrier.arrive $0xFFFF;
	s2 =	simm.s32 @!p0 $0x1C02  }
0x3b: {  	[timem:s3], [sflag:s2] =	dma.local @!p0 [hbm:s0], s1  }
0x3c: {  	s0 =	simm.s32 @!p0 $0x2  }
0x3d: {  	_ =	swait.ge @!p0 [sflag:s0], s1  }
0x3e: {  	s1 =	ssub.s32 @!p0 $0x0, s1;
	[sflag:s0] =	ssyncset.done @!p0 $0x0  }
0x3f: {  	[sflag:s0] =	ssyncadd.s32 @!p0 s1  }
0x40: {  	[bflag:$0x3] =	sbarrier.arrive $0xFFFF  }
0x41: {  	_ =	shalt  }

// kernel: kernel.9.cloned.1.call-start
scs
__scs_entry_jumppad:
0x0: {  	(pc) =	sbr.rel $0x88, $3  }
0x1: {  	(tag) =	ssettag $0x0;
	lr =	simm.s32 $0x1  }
0x2: {  	[smem:$0x3F98] =	sst lr;
	_ =	strace $0xD0000000  }
0x3: {  	_ = 	snop  }
0x4: {  	_ = 	snop  }
0x5: {  	_ = 	snop  }
0x6: {  	_ = 	snop  }
0x7: {  	_ = 	snop  }
__scs_overlays_trampoline_lowered:
0x8: {  	[smem:$0x3FA7] =	sst s0  }
0x9: {  	[smem:$0x3FA8] =	sst s1  }
0xa: {  	[smem:$0x3FA9] =	sst s2  }
0xb: {  	[smem:$0x3FAA] =	sst s3  }
0xc: {  	[smem:$0x3FAB] =	sst s4  }
0xd: {  	[smem:$0x3FAC] =	sst s5  }
0xe: {  	[smem:$0x3FAD] =	sst s6  }
0xf: {  	[smem:$0x3FAE] =	sst s7  }
0x10: {  	[smem:$0x3FAF] =	sst s8  }
0x11: {  	[smem:$0x3FB0] =	sst s9;
	s0 =	simm.s32 @!p0 $0x0  }
0x12: {  	s1 =	sld [smem:$0x3F96];
	s0 =	simm.s32 @p0 $0x1  }
0x13: {  	[smem:$0x3FB1] =	sst s0;
	s0 =	simm.s32 @!p1 $0x0  }
0x14: {  	s2 =	sld [smem:$0x3F95];
	s0 =	simm.s32 @p1 $0x1  }
0x15: {  	[smem:$0x3FB2] =	sst s0;
	s0 =	simm.s32 @!p2 $0x0  }
0x16: {  	s3 =	sld [smem:$0x3FDB];
	s0 =	simm.s32 @p2 $0x1  }
0x17: {  	s4 =	simm.s32 $0x1BF5;
	[smem:$0x3FB4] =	sst s0  }
0x18: {  	s0 =	sld [smem:$0x3F97];
	_ =	swait.ge [sflag:s4], $0x0  }
0x19: {  	s7 =	sld [smem:$0x3F98]  }
0x1a: {  	s8 =	sadd.s32 $0xFFFFE003, lr  }
0x1b: {  	s9 =	sadd.s32 $0xFFFFFEF7, lr;
	s5 =	simm.s32 $0xFFFFFFFF;
	p2 =	slt.u32 s8, $0xFFFFF086  }
0x1c: {  	p1 =	slt.u32 s9, $0xF7A;
	s5 =	simm.s32 @!p2 $0x0  }
0x1d: {  	s5 =	simm.s32 @p1 $0x1;
	p0 =	seq.s32 s7, s2  }
0x1e: {  	s7 =	smul.u32 @!p0 $0xF7A, s2;
	p2 =	seq.s32 @!p0 s5, $0x0  }
0x1f: {  	s9 =	smul.u32 $0xF7A, s1;
	s8 =	simm.s32 @!p0 $0x1BF5;
	p2 =	por !p2, p0  }
0x20: {  	[sflag:s8] =	ssyncset.s32 @!p0 $0xFFFFF086;
	s6 =	sadd.s32 @!p0 s3, s7;
	s7 =	simm.s32 @!p0 $0x108  }
0x21: {  	s3 =	sadd.s32 s3, s9;
	s6 =	sadd.s32 @!p0 $0x88, s6;
	s7 =	simm.s32 @p2 $0x1082  }
0x22: {  	[simem:s7], [sflag:s8] =	dma.local @!p0 [hbm:s6], $0xF7A  }
0x23: {  	s9 =	sor.u32 $0xD0000000, s2;
	s6 =	simm.s32 $0x108;
	_ =	swait.ge @!p0 [sflag:s8], $0x0  }
0x24: {  	s3 =	sadd.s32 $0x88, s3;
	s6 =	simm.s32 @!p1 $0x1082;
	[sflag:s4] =	ssyncset.s32 $0xFFFFF086  }
0x25: {  	[simem:s6], [sflag:s4] =	dma.local [hbm:s3], $0xF7A  }
0x26: {  	[smem:$0x3F98] =	sst s1;
	(tag) =	ssettag s2;
	_ =	strace s9  }
0x27: {  	s1 =	sld [smem:$0x3FA8]  }
0x28: {  	s2 =	sld [smem:$0x3FA9]  }
0x29: {  	s4 =	sld [smem:$0x3FAB]  }
0x2a: {  	p0 =	seq.s32 s5, $0x0;
	s5 =	sld [smem:$0x3FAC]  }
0x2b: {  	s6 =	sld [smem:$0x3FAD]  }
0x2c: {  	s7 =	sld [smem:$0x3FAE]  }
0x2d: {  	s3 =	simm.s32 $0x108;
	s8 =	sld [smem:$0x3FAF]  }
0x2e: {  	s3 =	simm.s32 @!p0 $0x1082;
	s9 =	sld [smem:$0x3FB0]  }
0x2f: {  	lr =	sadd.s32 s0, s3;
	s0 =	sld [smem:$0x3FA7]  }
0x30: {  	s3 =	sld [smem:$0x3FAA]  }
0x31: {  	[smem:$0x3FB3] =	sst s10  }
0x32: {  	s10 =	sld [smem:$0x3FB1];
	_ =	sdelay $0x3  }
0x33: {  	p0 =	seq.s32 s10, $0x1;
	s10 =	sld [smem:$0x3FB3];
	_ =	sdelay $0x3  }
0x34: {  	[smem:$0x3FB3] =	sst s10  }
0x35: {  	s10 =	sld [smem:$0x3FB2];
	_ =	sdelay $0x3  }
0x36: {  	p1 =	seq.s32 s10, $0x1;
	s10 =	sld [smem:$0x3FB3];
	_ =	sdelay $0x3  }
0x37: {  	[smem:$0x3FB3] =	sst s10  }
0x38: {  	s10 =	sld [smem:$0x3FB4]  }
0x39: {  	_ = 	snop;
	(pc) =	sbr.ind lr, $3  }
0x3a: {  	_ = 	snop  }
0x3b: {  	_ = 	snop  }
0x3c: {  	p2 =	seq.s32 s10, $0x1;
	s10 =	sld [smem:$0x3FB3]  }
0x3d: {  	_ =	shalt  }
0x3e: {  	_ =	shalt  }
0x3f: {  	_ =	shalt  }
0x40: {  	_ =	shalt  }
0x41: {  	_ =	shalt  }
0x42: {  	_ =	shalt  }
0x43: {  	_ =	shalt  }
0x44: {  	_ =	shalt  }
0x45: {  	_ =	shalt  }
0x46: {  	_ =	shalt  }
0x47: {  	_ =	shalt  }
0x48: {  	_ =	shalt  }
0x49: {  	_ =	shalt  }
0x4a: {  	_ =	shalt  }
0x4b: {  	_ =	shalt  }
0x4c: {  	_ =	shalt  }
0x4d: {  	_ =	shalt  }
0x4e: {  	_ =	shalt  }
0x4f: {  	_ =	shalt  }
0x50: {  	_ =	shalt  }
0x51: {  	_ =	shalt  }
0x52: {  	_ =	shalt  }
0x53: {  	_ =	shalt  }
0x54: {  	_ =	shalt  }
0x55: {  	_ =	shalt  }
0x56: {  	_ =	shalt  }
0x57: {  	_ =	shalt  }
0x58: {  	_ =	shalt  }
0x59: {  	_ =	shalt  }
0x5a: {  	_ =	shalt  }
0x5b: {  	_ =	shalt  }
0x5c: {  	_ =	shalt  }
0x5d: {  	_ =	shalt  }
0x5e: {  	_ =	shalt  }
0x5f: {  	_ =	shalt  }
0x60: {  	_ =	shalt  }
0x61: {  	_ =	shalt  }
0x62: {  	_ =	shalt  }
0x63: {  	_ =	shalt  }
0x64: {  	_ =	shalt  }
0x65: {  	_ =	shalt  }
0x66: {  	_ =	shalt  }
0x67: {  	_ =	shalt  }
0x68: {  	_ =	shalt  }
0x69: {  	_ =	shalt  }
0x6a: {  	_ =	shalt  }
0x6b: {  	_ =	shalt  }
0x6c: {  	_ =	shalt  }
0x6d: {  	_ =	shalt  }
0x6e: {  	_ =	shalt  }
0x6f: {  	_ =	shalt  }
0x70: {  	_ =	shalt  }
0x71: {  	_ =	shalt  }
0x72: {  	_ =	shalt  }
0x73: {  	_ =	shalt  }
0x74: {  	_ =	shalt  }
0x75: {  	_ =	shalt  }
0x76: {  	_ =	shalt  }
0x77: {  	_ =	shalt  }
0x78: {  	_ =	shalt  }
0x79: {  	_ =	shalt  }
0x7a: {  	_ =	shalt  }
0x7b: {  	_ =	shalt  }
0x7c: {  	_ =	shalt  }
0x7d: {  	_ =	shalt  }
0x7e: {  	_ =	shalt  }
0x7f: {  	_ =	shalt  }
0x80: {  	_ =	shalt  }
0x81: {  	_ =	shalt  }
0x82: {  	_ =	shalt  }
0x83: {  	_ =	shalt  }
0x84: {  	_ =	shalt  }
0x85: {  	_ =	shalt  }
0x86: {  	_ =	shalt  }
0x87: {  	_ =	shalt  }
.Lfunc_end0:
.L_simem_size_0:
called_computation.1_lowered:
.L_overlay_start_0:
0x88: {  	s2 =	sld [smem:$0x3FD9]  }
0x89: {  	s3 =	sld [smem:$0x3FFE];
	_ =	sdelay $0x1  }
0x8a: {  	s1 =	srdreg.scid  }
0x8b: {  	s0 =	sand.u32 $0x1, s1  }
0x8c: {  	s17 =	sshll.u32 s0, $0xA;
	s2 =	sadd.s32 s3, s2  }
0x8d: {  	s2 =	sadd.s32 s2, s17  }
0x8e: {  	[smem:$0x3FBF] =	sst s2  }
0x8f: {  	_ = 	snop  }
0x90: {  	(tm) =	ssettm $0x1  }
0x91: {  	s18 =	sld [smem:$0x3FFB];
	_ =	sdelay $0x3  }
0x92: {  	_ =	strace s18  }
0x93: {  	s2 =	sld [smem:$0x3FFC];
	_ =	sdelay $0x3  }
0x94: {  	_ =	strace s2  }
0x95: {  	s2 =	sld [smem:$0x3FFD];
	_ =	sdelay $0x3  }
0x96: {  	_ =	strace s2  }
0x97: {  	_ =	strace $0x8FFFFFFF  }
0x98: {  	s19 =	sld [smem:$0x3FDB];
	_ =	sdelay $0x1  }
0x99: {  	s20 =	simm.s32 $_scs_section_size  }
0x9a: {  	s4 =	simm.s32 $_size__tile_overlayer_lowered;
	s5 =	simm.s32 $_tile_overlayer_lowered  }
0x9b: {  	s6 =	simm.s32 $0x1BFF;
	s21 =	sshll.u32 s5, $0x1;
	s3 =	sadd.s32 s20, s19  }
0x9c: {  	s22 =	simm.s32 $0x0;
	s4 =	sshll.u32 s4, $0x1;
	s5 =	sadd.s32 s21, s3  }
0x9d: {  	[timem:s22], [sflag:s6] =	dma.local [hbm:s5], s4  }
0x9e: {  	_ =	swait.ge [sflag:s6], s4  }
0x9f: {  	s4 =	ssub.s32 $0x0, s4;
	[sflag:s6] =	ssyncset.done $0x0  }
0xa0: {  	[sflag:s6] =	ssyncadd.s32 s4;
	_ =	sdelay $0x1  }
0xa1: {  	s23 =	simm.s32 $0x1B8B  }
0xa2: {  	_ =	swait.ge [sflag:s23], $0x1  }
0xa3: {  	[sflag:s23] =	ssyncset.done $0x0  }
0xa4: {  	[sflag:s23] =	ssyncadd.s32 $0xFFFFFFFF  }
0xa5: {  	s4 =	sld [smem:$0x0]  }
0xa6: {  	s5 =	sand.u32 $0xFFFFFFFE, s1  }
0xa7: {  	p0 =	sne.s32 s1, s5  }
0xa8: {  	s5 =	sshll.u32 @p0 s5, $0xE  }
0xa9: {  	s5 =	sadd.s32 @p0 $0x11B8D, s5;
	s6 =	sshll.u32 @p0 s4, $0x11  }
0xaa: {  	s5 =	sor.u32 @p0 s6, s5  }
0xab: {  	[sflag:s5] =	ssyncadd.remote.s32 @p0 $0x1;
	_ =	sdelay $0x1  }
0xac: {  	s5 =	simm.s32 @p0 $0x1B8D  }
0xad: {  	_ =	swait.eq @p0 [sflag:s5], $0x1  }
0xae: {  	[sflag:s5] =	ssyncadd.s32 @p0 $0xFFFFFFFF  }
0xaf: {  	s6 =	sshll.u32 @!p0 s1, $0xE  }
0xb0: {  	s6 =	sor.u32 @!p0 $0x4000, s6;
	s5 =	simm.s32 @!p0 $0x1B8D  }
0xb1: {  	s4 =	sshll.u32 @!p0 s4, $0x11;
	s6 =	sadd.s32 @!p0 $0x11B8D, s6;
	_ =	swait.eq @!p0 [sflag:s5], $0x1  }
0xb2: {  	s4 =	sor.u32 @!p0 s4, s6;
	[sflag:s5] =	ssyncadd.s32 @!p0 $0xFFFFFFFF  }
0xb3: {  	s25 =	simm.s32 $0x1B8E;
	s24 =	sld [smem:$0x3FFE];
	[sflag:s4] =	ssyncadd.remote.s32 @!p0 $0x1  }
0xb4: {  	s26 =	simm.s32 $execute0_lowered;
	[smem:$0x3FD2] =	sst s25  }
0xb5: {  	s5 =	sshll.u32 s26, $0x1;
	_ =	strace $0x80000049;
	[dreg:$0x1] =	wrdreg $0xFFFFFFFF  }
0xb6: {  	s28 =	simm.s32 $_size_execute0_lowered;
	s3 =	sadd.s32 s3, s5;
	[dreg:$0x0] =	wrdreg $0x0  }
0xb7: {  	s5 =	sshll.u32 s28, $0x1;
	[dreg:$0x2] =	wrdreg s3  }
0xb8: {  	[dreg:$0x3] =	wrdreg s5  }
0xb9: {  	[dreg:$0x4] =	wrdreg $0xC0  }
0xba: {  	_ =	task [dreg:s22], $0x5FFFF  }
0xbb: {  	[dreg:$0x1] =	wrdreg $0xFFFFFFFF  }
0xbc: {  	[dreg:$0x0] =	wrdreg $0x60  }
0xbd: {  	[dreg:$0x2] =	wrdreg s24  }
0xbe: {  	[dreg:$0x3] =	wrdreg $0xA  }
0xbf: {  	_ =	task.clear_ibuf [dreg:s22], $0x4FFFF;
	_ =	strace $0x90000049  }
0xc0: {  	s29 =	simm.s32 $0xA;
	_ =	strace $0x8000004B  }
0xc1: {  	_ =	swait.ge [sflag:s29], $0x1  }
0xc2: {  	[sflag:s29] =	ssyncadd.s32 $0xFFFFFFFF  }
0xc3: {  	_ =	strace $0x9000004B  }
0xc4: {  	_ =	sfence  }
0xc5: {  	s30 =	sld [smem:$0x0];
	_ =	sdelay $0x2  }
0xc6: {  	s31 =	sshll.u32 s1, $0xD;
	s1 =	sshrl.u32 s1, $0x2  }
0xc7: {  	s4 =	sand.u32 $0x4000, s31;
	s1 =	sadd.s32 s1, s30  }
0xc8: {  	s0 =	sor.u32 s4, s0;
	s1 =	sshll.u32 s1, $0x11  }
0xc9: {  	s0 =	sor.u32 s1, s0  }
0xca: {  	s0 =	sadd.s32 $0x8F2B, s0  }
0xcb: {  	[sflag:s0] =	ssyncadd.remote.s32 $0x1  }
0xcc: {  	_ =	sfence.sel $0xFFFF  }
0xcd: {  	[dreg:$0x0] =	wrdreg $0xFFFFFFFF;
	(pc) =	sbr.abs _section_cstart, $3  }
0xce: {  	[dreg:$0x1] =	wrdreg $0xFFFFFFFF  }
0xcf: {  	_ =	task.clear_ibuf [dreg:s22], $0x2FFFF;
	_ =	strace $0x9FFFFFFF  }
0xd0: {  	(tm) =	ssettm $0x7FFFFFFF  }
0xd1: {  	_ =	shalt  }
tec
execute0_lowered:
.L_overlay_start_1:
0x0: {  	(tag) =	ssettag $0x1  }
0x1: {  	s7 =	rddreg [dreg:$0x0]  }
0x2: {  	s0 =	rddreg [dreg:$0x1];
	s2 =	simm.s32 $0x0;
	s1 =	stileid.u32  }
0x3: {  	s3 =	srdreg.scid;
	[smem:$0x7FF] =	sst s2;
	s4 =	sshll.u32 s1, $0x1  }
0x4: {  	s5 =	sand.u32 $0x1, s3;
	s3 =	sadd.s32 $0x2A00, s7;
	s9 =	sadd.s32 $0xA800, s7  }
0x5: {  	s11 =	sadd.s32 $0xB800, s7;
	s13 =	sshrl.u32 s1, $0x2;
	s14 =	sadd.s32 $0x87C0, s7  }
0x6: {  	s18 =	sadd.s32 $0x4940, s7;
	_ =	strace $0x8000004A;
	s4 =	sand.u32 $0x6, s4  }
0x7: {  	s6 =	ssub.s32 $0x2, s5;
	p4 =	sgt.s32 s13, $0x1;
	s8 =	sor.u32 s5, s4  }
0x8: {  	s25 =	sshrl.u32 s6, $0x1;
	p2 =	seq.s32 @p4 s13, $0x2;
	p3 =	seq.s32 @!p4 s13, $0x0  }
0x9: {  	s10 =	sshll.u32 s8, $0xA;
	s12 =	ssub.s32 s6, s25;
	s31 =	sshll.u32 s8, $0x7  }
0xa: {  	p0 =	por !p2, !p4;
	p1 =	por !p3, p4;
	p2 =	por p2, !p4  }
0xb: {  	p3 =	por p3, p4;
	s26 =	sor.u32 $0x6000, s10;
	s29 =	sor.u32 $0x4000, s10  }
0xc: {  	s10 =	sor.u32 $0x2000, s10;
	s3 =	smov.u32 @p1 s18;
	s28 =	sshrl.u32 s26, $0x3  }
0xd: {  	s15 =	sshrl.u32 s29, $0x3;
	s16 =	sshll.u32 s26, $0x3;
	s17 =	sshll.u32 s29, $0x3  }
0xe: {  	s30 =	sshrl.u32 s10, $0x3;
	s10 =	sshll.u32 s10, $0x3;
	s4 =	sadd.s32 s9, s28  }
0xf: {  	s5 =	sadd.s32 s9, s15;
	s15 =	sadd.s32 $0x6880, s7;
	s6 =	sadd.s32 s9, s30  }
0x10: {  	s7 =	sadd.s32 s9, s31;
	s9 =	sshll.u32 s8, $0xD;
	s8 =	smax.u32 s12, $0x1  }
0x11: {  	s17 =	smov.u32 @p0 s16;
	s12 =	simm.s32 $0x2;
	s9 =	smov.u32 @p1 s10  }
0x12: {  	s15 =	smov.u32 @p0 s14;
	s10 =	simm.s32 $0x400;
	s9 =	smov.u32 @p4 s17  }
0x13: {  	s3 =	smov.u32 @p4 s15;
	s9 =	sadd.s32 s11, s9;
	s11 =	simm.s32 $0x1  }
.LBB2_1:
0x14: {  	s13 =	simm.s32 @!p0 $0x0  }
0x15: {  	[tilespmem:s13], [sflag:$0x2] =	stream.linear.gather @!p0 [hbm4b:s5+s13], $0x400, $0x38;
	[tilespmem:$0x10400] =	vst v63  }
0x16: {  	s13 =	simm.s32 @!p0 $0x2  }
0x17: {  	_ =	swait.ge @!p0 [sflag:s13], $0x400  }
0x18: {  	[sflag:s13] =	ssyncset.done @!p0 $0x0  }
0x19: {  	[sflag:s13] =	ssyncadd.s32 @!p0 $0xFFFFFC00;
	s13 =	simm.s32 @!p2 $0x0  }
0x1a: {  	[tilespmem:s13], [sflag:$0x2] =	stream.linear.gather @!p2 [hbm4b:s4+s13], $0x400, $0x38;
	[tilespmem:$0x10400] =	vst v63  }
0x1b: {  	s13 =	simm.s32 @!p2 $0x2  }
0x1c: {  	_ =	swait.ge @!p2 [sflag:s13], $0x400  }
0x1d: {  	[sflag:s13] =	ssyncset.done @!p2 $0x0  }
0x1e: {  	[sflag:s13] =	ssyncadd.s32 @!p2 $0xFFFFFC00;
	s13 =	simm.s32 @!p1 $0x0  }
0x1f: {  	[tilespmem:s13], [sflag:$0x2] =	stream.linear.gather @!p1 [hbm4b:s7+s13], $0x400, $0x38;
	[tilespmem:$0x10400] =	vst v63  }
0x20: {  	s13 =	simm.s32 @!p1 $0x2  }
0x21: {  	_ =	swait.ge @!p1 [sflag:s13], $0x400  }
0x22: {  	[sflag:s13] =	ssyncset.done @!p1 $0x0  }
0x23: {  	[sflag:s13] =	ssyncadd.s32 @!p1 $0xFFFFFC00;
	s13 =	simm.s32 @!p3 $0x0  }
0x24: {  	[tilespmem:s13], [sflag:$0x2] =	stream.linear.gather @!p3 [hbm4b:s6+s13], $0x400, $0x38;
	[tilespmem:$0x10400] =	vst v63  }
0x25: {  	s13 =	simm.s32 @!p3 $0x2  }
0x26: {  	_ =	swait.ge @!p3 [sflag:s13], $0x400  }
0x27: {  	[sflag:s13] =	ssyncset.done @!p3 $0x0  }
0x28: {  	[sflag:s13] =	ssyncadd.s32 @!p3 $0xFFFFFC00  }
0x29: {  	[tilespmem:s10], [sflag:$0x1] =	stream.indirect.gather [hbm4b:s3+s10], $0x40, s2, s10, $0xb8;
	[tilespmem:$0x10400] =	vst v63  }
0x2a: {  	s8 =	sadd.s32 $0xFFFFFFFF, s8;
	_ =	swait.ge [sflag:s11], $0x10000  }
0x2b: {  	p4 =	sne.s32 s8, $0x0;
	[sflag:s11] =	ssyncset.done $0x0  }
.Ltmp0:
0x2c: {  	[sflag:s11] =	ssyncadd.s32 $0xFFFF0000;
	(pc) =	sbr.rel @p4 .LBB2_1-.Ltmp0, $4  }
0x2d: {  	[hbm4b:s9+s2] =	stream.linear.scatter [tilespmem:s10], [sflag:$0x2], $0x10000, $0x38;
	[tilespmem:$0x10400] =	vst v63  }
0x2e: {  	_ =	swait.ge [sflag:s12], $0x10000  }
0x2f: {  	[sflag:s12] =	ssyncset.done $0x0  }
0x30: {  	[sflag:s12] =	ssyncadd.s32 $0xFFFF0000  }
0x31: {  	_ =	sfence.sel $0x180000  }
0x32: {  	[bflag:$0x0] =	sbarrier.arrive $0xFFFF  }
0x33: {  	p0 =	sne.s32 s1, $0x0;
	_ =	strace $0x9000004A  }
0x34: {  	s0 =	sadd.s32 @!p0 $0x100000, s0;
	[bflag:$0x2] =	sbarrier.arrive $0xFFFF  }
0x35: {  	[sflag:s0] =	ssyncadd.tile.s32 @!p0 $0x1;
	_ =	shalt  }
.Lfunc_end2:
_tile_overlayer_lowered:
.L_overlay_start_2:
0x36: {  	(tag) =	ssettag $0x2  }
0x37: {  	s0 =	rddreg [dreg:$0x0];
	s2 =	stileid.u32  }
0x38: {  	s1 =	rddreg [dreg:$0x1];
	p0 =	sne.s32 s2, $0x0  }
0x39: {  	s3 =	rddreg [dreg:$0x2];
	[bflag:$0x3] =	sbarrier.arrive $0xFFFF;
	s2 =	simm.s32 @!p0 $0x1C02  }
0x3a: {  	[timem:s3], [sflag:s2] =	dma.local @!p0 [hbm:s0], s1  }
0x3b: {  	s0 =	simm.s32 @!p0 $0x2  }
0x3c: {  	_ =	swait.ge @!p0 [sflag:s0], s1  }
0x3d: {  	s1 =	ssub.s32 @!p0 $0x0, s1;
	[sflag:s0] =	ssyncset.done @!p0 $0x0  }
0x3e: {  	[sflag:s0] =	ssyncadd.s32 @!p0 s1  }
0x3f: {  	[bflag:$0x3] =	sbarrier.arrive $0xFFFF  }
0x40: {  	_ =	shalt  }

</sc_bundles>
